<compile_context>
chip_gen: v7x
topology: tpu7x:2x2x1
jax: 0.10.2.dev20260603
libtpu: 0.0.44.dev20260713+nightly
codegen_flags: <defaults>
</compile_context>

<pallas_src>
import functools

import jax
import jax.numpy as jnp
from jax import lax
from jax.experimental import pallas as pl
from jax.experimental.pallas import tpu as pltpu
from jax.experimental.pallas import tpu_sc as plsc

N_NODES = 10000
N_EDGES = 320000
D = 128
HALF = D // 2
NUM_TYPES = 4

NC = 2
NS = 16
NW = NC * NS
LANES = 16

P_PER_S = HALF // NS
E_PER_C = N_EDGES // NC
CHUNK = 8000
N_CHUNKS = E_PER_C // CHUNK
GROUPS = CHUNK // LANES


def _pack_pairs(d_f32):
    lo = lax.bitcast_convert_type(d_f32[:, :HALF].astype(jnp.bfloat16),
                                  jnp.uint16).astype(jnp.uint32)
    hi = lax.bitcast_convert_type(d_f32[:, HALF:].astype(jnp.bfloat16),
                                  jnp.uint16).astype(jnp.uint32)
    return lax.bitcast_convert_type(lo | (hi << 16), jnp.int32).T


def _project_body(x_ref, wu_ref, bu_ref, wv_ref, bv_ref, s_ref, r_ref, e_ref,
                  upk_ref, vpk_ref, pidx_ref):
    xb = x_ref[...]
    du = jnp.dot(xb, wu_ref[...], preferred_element_type=jnp.float32) + bu_ref[...]
    dv = jnp.dot(xb, wv_ref[...], preferred_element_type=jnp.float32) + bv_ref[...]
    upk_ref[...] = _pack_pairs(du)
    vpk_ref[...] = _pack_pairs(dv)
    pidx_ref[...] = s_ref[...] | (r_ref[...] << 14) | (e_ref[...] << 28)


def _project(x, wu, bu2, wv, bv2, s2d, r2d, e2d):
    whole = lambda shape: pl.BlockSpec(shape, lambda: tuple(0 for _ in shape))
    return pl.pallas_call(
        _project_body,
        grid=(),
        in_specs=[
            whole((N_NODES, D)),
            whole((D, D)),
            whole((1, D)),
            whole((D, D)),
            whole((1, D)),
            whole((N_EDGES // D, D)),
            whole((N_EDGES // D, D)),
            whole((N_EDGES // D, D)),
        ],
        out_specs=[
            whole((HALF, N_NODES)),
            whole((HALF, N_NODES)),
            whole((N_EDGES // D, D)),
        ],
        out_shape=[
            jax.ShapeDtypeStruct((HALF, N_NODES), jnp.int32),
            jax.ShapeDtypeStruct((HALF, N_NODES), jnp.int32),
            jax.ShapeDtypeStruct((N_EDGES // D, D), jnp.int32),
        ],
    )(x, wu, bu2, wv, bv2, s2d, r2d, e2d)


def _reduce_body(part_ref, out_ref):
    out_ref[...] = jnp.sum(part_ref[...], axis=0, keepdims=True)


def _reduce(partials):
    B = 12800
    grid = (N_EDGES // B,)
    return pl.pallas_call(
        _reduce_body,
        grid=grid,
        in_specs=[pl.BlockSpec((NS, B), lambda i: (0, i))],
        out_specs=pl.BlockSpec((1, B), lambda i: (0, i)),
        out_shape=jax.ShapeDtypeStruct((1, N_EDGES), jnp.float32),
    )(partials)


ESTRIDE = 33


def _edge_body(upk_hbm, vpk_hbm, emb_hbm, pidx_hbm, part_hbm,
               utbl, vtbl, etbl, erep, sh_idx,
               i0, p0, i1, p1, sem0, sem1, osem):
    cid = lax.axis_index("c")
    sid = lax.axis_index("s")
    lanes = lax.iota(jnp.int32, LANES)
    lanebase = lanes * ESTRIDE

    tbase = pl.multiple_of(sid * (P_PER_S * N_NODES), P_PER_S * N_NODES)
    pltpu.sync_copy(upk_hbm.at[pl.ds(tbase, P_PER_S * N_NODES)], utbl)
    pltpu.sync_copy(vpk_hbm.at[pl.ds(tbase, P_PER_S * N_NODES)], vtbl)
    pltpu.sync_copy(emb_hbm, etbl)

    @pl.when(sid == 0)
    def _():
        hbase = pl.multiple_of(cid * E_PER_C, E_PER_C)
        pltpu.sync_copy(pidx_hbm.at[pl.ds(hbase, E_PER_C)], sh_idx)

    for c in range(NUM_TYPES * P_PER_S):
        t, dl = c // P_PER_S, c % P_PER_S
        dglob = sid * P_PER_S + dl
        lo = plsc.load_gather(etbl, [jnp.full((LANES,), t * D, jnp.int32) + dglob])
        hi = plsc.load_gather(etbl, [jnp.full((LANES,), t * D + HALF, jnp.int32) + dglob])
        pk = plsc.bitcast(plsc.pack(lo, hi, format=plsc.PackFormat.INTERLEAVED),
                          jnp.int32)
        plsc.store_scatter(erep, [lanebase + c], pk)

    plsc.subcore_barrier()

    def loads(k, ib, sem):
        off = pl.multiple_of(k * CHUNK, CHUNK)
        pltpu.async_copy(sh_idx.at[pl.ds(off, CHUNK)], ib, sem)

    def drain(ib, sem):
        pltpu.make_async_copy(sh_idx.at[pl.ds(0, CHUNK)], ib, sem).wait()

    def compute(ib, pb):
        def group_body(g, carry2):
            sl = pl.ds(g * LANES, LANES)
            pk = ib[sl]
            sv = lax.bitwise_and(pk, 0x3FFF)
            rv = lax.bitwise_and(lax.shift_right_logical(pk, 14), 0x3FFF)
            evb = lanebase + lax.shift_left(lax.shift_right_logical(pk, 28), 2)

            acc = jnp.zeros((LANES,), jnp.float32)
            for dl in range(P_PER_S):
                u = plsc.load_gather(utbl, [sv + dl * N_NODES])
                v = plsc.load_gather(vtbl, [rv + dl * N_NODES])
                prod = plsc.bitcast(u, jnp.bfloat16) * plsc.bitcast(v, jnp.bfloat16)
                plo, phi = plsc.unpack(prod, format=plsc.PackFormat.INTERLEAVED)
                epk = plsc.load_gather(erep, [evb + dl])
                elo, ehi = plsc.unpack(plsc.bitcast(epk, jnp.bfloat16),
                                       format=plsc.PackFormat.INTERLEAVED)
                acc = acc + plo * elo + phi * ehi
            pb[sl] = acc
            return carry2

        lax.fori_loop(0, GROUPS, group_body, 0)

    def store(k, pb):
        off = pl.multiple_of(sid * N_EDGES + cid * E_PER_C + k * CHUNK, CHUNK)
        pltpu.async_copy(pb, part_hbm.at[pl.ds(off, CHUNK)], osem)

    def store_wait(pb):
        pltpu.make_async_copy(pb, part_hbm.at[pl.ds(0, CHUNK)], osem).wait()

    loads(0, i0, sem0)

    def chunk_pair(p, carry):
        k = p * 2
        loads(k + 1, i1, sem1)
        drain(i0, sem0)

        @pl.when(p > 0)
        def _():
            store_wait(p0)

        compute(i0, p0)
        store(k, p0)

        @pl.when(k + 2 < N_CHUNKS)
        def _():
            loads(k + 2, i0, sem0)

        drain(i1, sem1)

        @pl.when(p > 0)
        def _():
            store_wait(p1)

        compute(i1, p1)
        store(k + 1, p1)
        return carry

    lax.fori_loop(0, N_CHUNKS // 2, chunk_pair, 0)
    store_wait(p0)
    store_wait(p1)


@functools.cache
def _edge_kernel():
    return pl.kernel(
        _edge_body,
        out_type=jax.ShapeDtypeStruct((NS * N_EDGES,), jnp.float32),
        mesh=plsc.VectorSubcoreMesh(core_axis_name="c", subcore_axis_name="s"),
        scratch_types=[
            pltpu.VMEM((P_PER_S * N_NODES,), jnp.int32),
            pltpu.VMEM((P_PER_S * N_NODES,), jnp.int32),
            pltpu.VMEM((NUM_TYPES * D,), jnp.float32),
            pltpu.VMEM((LANES * ESTRIDE,), jnp.int32),
            pltpu.VMEM_SHARED((E_PER_C,), jnp.int32),
            pltpu.VMEM((CHUNK,), jnp.int32),
            pltpu.VMEM((CHUNK,), jnp.float32),
            pltpu.VMEM((CHUNK,), jnp.int32),
            pltpu.VMEM((CHUNK,), jnp.float32),
            pltpu.SemaphoreType.DMA,
            pltpu.SemaphoreType.DMA,
            pltpu.SemaphoreType.DMA,
        ],
        compiler_params=pltpu.CompilerParams(needs_layout_passes=False),
    )


def kernel(x, senders, receivers, edge_feature, emb, Wu, bu, Wv, bv):
    upk, vpk, pidx = _project(
        x, Wu, bu.reshape(1, D), Wv, bv.reshape(1, D),
        senders.reshape(N_EDGES // D, D),
        receivers.reshape(N_EDGES // D, D),
        edge_feature.reshape(N_EDGES // D, D),
    )
    partials = _edge_kernel()(
        upk.reshape(HALF * N_NODES), vpk.reshape(HALF * N_NODES),
        emb.reshape(NUM_TYPES * D), pidx.reshape(N_EDGES))
    return _reduce(partials.reshape(NS, N_EDGES)).reshape(N_EDGES)

# --- scband reference (transcript-rebuilt; emitter-appended) ---
"""Pipeline reference for scband-node-dot-v2-21036749816030 (READ-ONLY COPY).

The authoritative reference and input builder live on the scoring server;
editing this copy changes nothing except your own understanding.
"""

import jax, jax.numpy as jnp
import numpy as np

N_NODES = 10000
N_EDGES = 320000
D_FEAT = 128
INNER = 128
NUM_EDGE_TYPES = 4


def setup_inputs(seed: int = 0) -> dict:
    key = jax.random.key(seed)
    ks = jax.random.split(key, 9)
    x = jax.random.normal(ks[0], (N_NODES, D_FEAT), dtype=jnp.float32)
    senders = jax.random.randint(ks[1], (N_EDGES,), 0, N_NODES, dtype=jnp.int32)
    receivers = jax.random.randint(ks[2], (N_EDGES,), 0, N_NODES, dtype=jnp.int32)
    edge_feature = jax.random.randint(ks[3], (N_EDGES,), 0, NUM_EDGE_TYPES, dtype=jnp.int32)
    # learned params: nn.Embed(4, inner) + two nn.Dense(inner) applied to d_feat inputs
    emb = jax.random.normal(ks[4], (NUM_EDGE_TYPES, INNER), dtype=jnp.float32)
    Wu = jax.random.normal(ks[5], (D_FEAT, INNER), dtype=jnp.float32) / np.sqrt(D_FEAT)
    bu = jnp.zeros((INNER,), dtype=jnp.float32)
    Wv = jax.random.normal(ks[6], (D_FEAT, INNER), dtype=jnp.float32) / np.sqrt(D_FEAT)
    bv = jnp.zeros((INNER,), dtype=jnp.float32)
    return {"x": x, "senders": senders, "receivers": receivers, "edge_feature": edge_feature,
            "emb": emb, "Wu": Wu, "bu": bu, "Wv": Wv, "bv": bv}


def reference(x, senders, receivers, edge_feature, emb, Wu, bu, Wv, bv):
    # u, v = x[senders], x[receivers]  (edge-wise gathers)
    u = jnp.take(x, senders, axis=0)
    v = jnp.take(x, receivers, axis=0)
    # edge_embed = nn.Embed(4, inner)(edge_feature)
    edge_embed = jnp.take(emb, edge_feature, axis=0)
    # sum(Dense(u) * Dense(v) * edge_embed, axis=-1)
    du = u @ Wu + bu
    dv = v @ Wv + bv
    return jnp.sum(du * dv * edge_embed, axis=-1)

if __name__ == "__main__":
    import jax
    _d = setup_inputs()
    print(jax.jit(kernel)(*tuple(_d.values())))

</pallas_src>

<mosaic_0001>
#map = affine_map<(d0, d1) -> (0)>
module attributes {stable_mosaic.version = 14 : i64} {
  func.func @_edge_body(%arg0: i32, %arg1: i32, %arg2: memref<640000xi32, #tpu.memory_space<hbm>>, %arg3: memref<640000xi32, #tpu.memory_space<hbm>>, %arg4: memref<512xf32, #tpu.memory_space<hbm>>, %arg5: memref<320000xi32, #tpu.memory_space<hbm>>, %arg6: memref<5120000xf32, #tpu.memory_space<hbm>>, %arg7: memref<40000xi32, #tpu.memory_space<vmem>>, %arg8: memref<40000xi32, #tpu.memory_space<vmem>>, %arg9: memref<512xf32, #tpu.memory_space<vmem>>, %arg10: memref<528xi32, #tpu.memory_space<vmem>>, %arg11: memref<160000xi32, #tpu.memory_space<vmem_shared>>, %arg12: memref<8000xi32, #tpu.memory_space<vmem>>, %arg13: memref<8000xf32, #tpu.memory_space<vmem>>, %arg14: memref<8000xi32, #tpu.memory_space<vmem>>, %arg15: memref<8000xf32, #tpu.memory_space<vmem>>, %arg16: memref<!tpu.dma_semaphore, #tpu.memory_space<semaphore_mem>>, %arg17: memref<!tpu.dma_semaphore, #tpu.memory_space<semaphore_mem>>, %arg18: memref<!tpu.dma_semaphore, #tpu.memory_space<semaphore_mem>>) attributes {dimension_semantics = [#tpu.dimension_semantics<core_parallel>, #tpu.dimension_semantics<subcore_parallel>], iteration_bounds = array<i64: 2, 16>, scalar_prefetch = 0 : i64, scratch_operands = 12 : i64, tpu.core_type = #tpu.core_type<sc_vector_subcore>, window_params = [{transform_indices = #map}, {transform_indices = #map}, {transform_indices = #map}, {transform_indices = #map}, {transform_indices = #map}]} {
    %iota3A = tpu.iota {dimensions = array<i32: 0>} : vector<16xi32>
    %mul3A = arith.constant 33 : i32
    %mul3A_0 = vector.broadcast %mul3A : i32 to vector<16xi32>
    %mul3A_1 = arith.muli %iota3A, %mul3A_0 : vector<16xi32>
    %mul3A_2 = arith.constant 40000 : i32
    %mul3A_3 = arith.muli %arg1, %mul3A_2 : i32
    %multiple_of3A = tpu.assume_multiple %mul3A_3, 40000 : i32
    "tpu.region"() ({
      %run_scoped3A = tpu.sem_alloc : memref<!tpu.dma_semaphore, #tpu.memory_space<semaphore_mem>>
      %dma_start3A_320 = tpu.memref_slice %arg2[%multiple_of3A] : memref<640000xi32, #tpu.memory_space<hbm>> -> memref<40000xi32, #tpu.memory_space<hbm>>
      %dma_start3A_321 = tpu.memref_slice %arg2[%multiple_of3A] : memref<640000xi32, #tpu.memory_space<hbm>> -> memref<40000xi32, #tpu.memory_space<hbm>>
      tpu.enqueue_dma source(%dma_start3A_321 : memref<40000xi32, #tpu.memory_space<hbm>>) target(%arg7 : memref<40000xi32, #tpu.memory_space<vmem>>) target_semaphore(%run_scoped3A : memref<!tpu.dma_semaphore, #tpu.memory_space<semaphore_mem>>)
      %dma_wait3A_322 = tpu.memref_slice %arg2[%multiple_of3A] : memref<640000xi32, #tpu.memory_space<hbm>> -> memref<40000xi32, #tpu.memory_space<hbm>>
      %dma_wait3A_323 = tpu.memref_slice %arg2[%multiple_of3A] : memref<640000xi32, #tpu.memory_space<hbm>> -> memref<40000xi32, #tpu.memory_space<hbm>>
      tpu.wait_dma2 semaphore(%run_scoped3A : memref<!tpu.dma_semaphore, #tpu.memory_space<semaphore_mem>>) src(%dma_wait3A_323 : memref<40000xi32, #tpu.memory_space<hbm>>) dst(%arg7 : memref<40000xi32, #tpu.memory_space<vmem>>)
      tpu.yield
    }) : () -> ()
    "tpu.region"() ({
      %run_scoped3A = tpu.sem_alloc : memref<!tpu.dma_semaphore, #tpu.memory_space<semaphore_mem>>
      %dma_start3A_320 = tpu.memref_slice %arg3[%multiple_of3A] : memref<640000xi32, #tpu.memory_space<hbm>> -> memref<40000xi32, #tpu.memory_space<hbm>>
      %dma_start3A_321 = tpu.memref_slice %arg3[%multiple_of3A] : memref<640000xi32, #tpu.memory_space<hbm>> -> memref<40000xi32, #tpu.memory_space<hbm>>
      tpu.enqueue_dma source(%dma_start3A_321 : memref<40000xi32, #tpu.memory_space<hbm>>) target(%arg8 : memref<40000xi32, #tpu.memory_space<vmem>>) target_semaphore(%run_scoped3A : memref<!tpu.dma_semaphore, #tpu.memory_space<semaphore_mem>>)
      %dma_wait3A_322 = tpu.memref_slice %arg3[%multiple_of3A] : memref<640000xi32, #tpu.memory_space<hbm>> -> memref<40000xi32, #tpu.memory_space<hbm>>
      %dma_wait3A_323 = tpu.memref_slice %arg3[%multiple_of3A] : memref<640000xi32, #tpu.memory_space<hbm>> -> memref<40000xi32, #tpu.memory_space<hbm>>
      tpu.wait_dma2 semaphore(%run_scoped3A : memref<!tpu.dma_semaphore, #tpu.memory_space<semaphore_mem>>) src(%dma_wait3A_323 : memref<40000xi32, #tpu.memory_space<hbm>>) dst(%arg8 : memref<40000xi32, #tpu.memory_space<vmem>>)
      tpu.yield
    }) : () -> ()
    "tpu.region"() ({
      %run_scoped3A = tpu.sem_alloc : memref<!tpu.dma_semaphore, #tpu.memory_space<semaphore_mem>>
      tpu.enqueue_dma source(%arg4 : memref<512xf32, #tpu.memory_space<hbm>>) target(%arg9 : memref<512xf32, #tpu.memory_space<vmem>>) target_semaphore(%run_scoped3A : memref<!tpu.dma_semaphore, #tpu.memory_space<semaphore_mem>>)
      tpu.wait_dma2 semaphore(%run_scoped3A : memref<!tpu.dma_semaphore, #tpu.memory_space<semaphore_mem>>) src(%arg4 : memref<512xf32, #tpu.memory_space<hbm>>) dst(%arg9 : memref<512xf32, #tpu.memory_space<vmem>>)
      tpu.yield
    }) : () -> ()
    %eq3A = arith.constant 0 : i32
    %eq3A_4 = arith.cmpi eq, %arg1, %eq3A : i32
    %convert_element_type3A = arith.extui %eq3A_4 : i1 to i32
    %cond3A = arith.constant 0 : i32
    %cond3A_5 = arith.cmpi ne, %convert_element_type3A, %cond3A : i32
    scf.if %cond3A_5 {
      %mul3A_320 = arith.constant 160000 : i32
      %mul3A_321 = arith.muli %arg0, %mul3A_320 : i32
      %multiple_of3A_322 = tpu.assume_multiple %mul3A_321, 160000 : i32
      "tpu.region"() ({
        %run_scoped3A = tpu.sem_alloc : memref<!tpu.dma_semaphore, #tpu.memory_space<semaphore_mem>>
        %dma_start3A_323 = tpu.memref_slice %arg5[%multiple_of3A_322] : memref<320000xi32, #tpu.memory_space<hbm>> -> memref<160000xi32, #tpu.memory_space<hbm>>
        tpu.enqueue_dma source(%dma_start3A_323 : memref<160000xi32, #tpu.memory_space<hbm>>) target(%arg11 : memref<160000xi32, #tpu.memory_space<vmem_shared>>) target_semaphore(%run_scoped3A : memref<!tpu.dma_semaphore, #tpu.memory_space<semaphore_mem>>)
        %dma_wait3A_324 = tpu.memref_slice %arg5[%multiple_of3A_322] : memref<320000xi32, #tpu.memory_space<hbm>> -> memref<160000xi32, #tpu.memory_space<hbm>>
        tpu.wait_dma2 semaphore(%run_scoped3A : memref<!tpu.dma_semaphore, #tpu.memory_space<semaphore_mem>>) src(%dma_wait3A_324 : memref<160000xi32, #tpu.memory_space<hbm>>) dst(%arg11 : memref<160000xi32, #tpu.memory_space<vmem_shared>>)
        tpu.yield
      }) : () -> ()
    } else {
    }
    %mul3A_6 = arith.constant 4 : i32
    %mul3A_7 = arith.muli %arg1, %mul3A_6 : i32
    %add3A = arith.constant 0 : i32
    %add3A_8 = arith.addi %mul3A_7, %add3A : i32
    %broadcast_in_dim3A = arith.constant 0 : i32
    %broadcast_in_dim3A_9 = vector.broadcast %broadcast_in_dim3A : i32 to vector<16xi32>
    %add3A_10 = vector.broadcast %add3A_8 : i32 to vector<16xi32>
    %add3A_11 = arith.addi %broadcast_in_dim3A_9, %add3A_10 : vector<16xi32>
    %gather3A = tpu.vector_load_idx %arg9[%add3A_11] : memref<512xf32, #tpu.memory_space<vmem>>[vector<16xi32>], vector<16xf32>,
    %broadcast_in_dim3A_12 = arith.constant 64 : i32
    %broadcast_in_dim3A_13 = vector.broadcast %broadcast_in_dim3A_12 : i32 to vector<16xi32>
    %add3A_14 = vector.broadcast %add3A_8 : i32 to vector<16xi32>
    %add3A_15 = arith.addi %broadcast_in_dim3A_13, %add3A_14 : vector<16xi32>
    %gather3A_16 = tpu.vector_load_idx %arg9[%add3A_15] : memref<512xf32, #tpu.memory_space<vmem>>[vector<16xi32>], vector<16xf32>,
    %pack3A = tpu.pack_subelements %gather3A, %gather3A_16 {pack_format = #tpu.pack_format<interleaved>, positions = array<i32: 0, 1>} : vector<16xf32>, vector<16xf32> -> vector<32xbf16>
    %bitcast3A = vector.bitcast %pack3A : vector<32xbf16> to vector<16xi32>
    %add3A_17 = arith.constant 0 : i32
    %add3A_18 = vector.broadcast %add3A_17 : i32 to vector<16xi32>
    %add3A_19 = arith.addi %mul3A_1, %add3A_18 : vector<16xi32>
    tpu.vector_store_idx %arg10[%add3A_19], %bitcast3A : memref<528xi32, #tpu.memory_space<vmem>>[vector<16xi32>], vector<16xi32>,
    %mul3A_20 = arith.constant 4 : i32
    %mul3A_21 = arith.muli %arg1, %mul3A_20 : i32
    %add3A_22 = arith.constant 1 : i32
    %add3A_23 = arith.addi %mul3A_21, %add3A_22 : i32
    %broadcast_in_dim3A_24 = arith.constant 0 : i32
    %broadcast_in_dim3A_25 = vector.broadcast %broadcast_in_dim3A_24 : i32 to vector<16xi32>
    %add3A_26 = vector.broadcast %add3A_23 : i32 to vector<16xi32>
    %add3A_27 = arith.addi %broadcast_in_dim3A_25, %add3A_26 : vector<16xi32>
    %gather3A_28 = tpu.vector_load_idx %arg9[%add3A_27] : memref<512xf32, #tpu.memory_space<vmem>>[vector<16xi32>], vector<16xf32>,
    %broadcast_in_dim3A_29 = arith.constant 64 : i32
    %broadcast_in_dim3A_30 = vector.broadcast %broadcast_in_dim3A_29 : i32 to vector<16xi32>
    %add3A_31 = vector.broadcast %add3A_23 : i32 to vector<16xi32>
    %add3A_32 = arith.addi %broadcast_in_dim3A_30, %add3A_31 : vector<16xi32>
    %gather3A_33 = tpu.vector_load_idx %arg9[%add3A_32] : memref<512xf32, #tpu.memory_space<vmem>>[vector<16xi32>], vector<16xf32>,
    %pack3A_34 = tpu.pack_subelements %gather3A_28, %gather3A_33 {pack_format = #tpu.pack_format<interleaved>, positions = array<i32: 0, 1>} : vector<16xf32>, vector<16xf32> -> vector<32xbf16>
    %bitcast3A_35 = vector.bitcast %pack3A_34 : vector<32xbf16> to vector<16xi32>
    %add3A_36 = arith.constant 1 : i32
    %add3A_37 = vector.broadcast %add3A_36 : i32 to vector<16xi32>
    %add3A_38 = arith.addi %mul3A_1, %add3A_37 : vector<16xi32>
    tpu.vector_store_idx %arg10[%add3A_38], %bitcast3A_35 : memref<528xi32, #tpu.memory_space<vmem>>[vector<16xi32>], vector<16xi32>,
    %mul3A_39 = arith.constant 4 : i32
    %mul3A_40 = arith.muli %arg1, %mul3A_39 : i32
    %add3A_41 = arith.constant 2 : i32
    %add3A_42 = arith.addi %mul3A_40, %add3A_41 : i32
    %broadcast_in_dim3A_43 = arith.constant 0 : i32
    %broadcast_in_dim3A_44 = vector.broadcast %broadcast_in_dim3A_43 : i32 to vector<16xi32>
    %add3A_45 = vector.broadcast %add3A_42 : i32 to vector<16xi32>
    %add3A_46 = arith.addi %broadcast_in_dim3A_44, %add3A_45 : vector<16xi32>
    %gather3A_47 = tpu.vector_load_idx %arg9[%add3A_46] : memref<512xf32, #tpu.memory_space<vmem>>[vector<16xi32>], vector<16xf32>,
    %broadcast_in_dim3A_48 = arith.constant 64 : i32
    %broadcast_in_dim3A_49 = vector.broadcast %broadcast_in_dim3A_48 : i32 to vector<16xi32>
    %add3A_50 = vector.broadcast %add3A_42 : i32 to vector<16xi32>
    %add3A_51 = arith.addi %broadcast_in_dim3A_49, %add3A_50 : vector<16xi32>
    %gather3A_52 = tpu.vector_load_idx %arg9[%add3A_51] : memref<512xf32, #tpu.memory_space<vmem>>[vector<16xi32>], vector<16xf32>,
    %pack3A_53 = tpu.pack_subelements %gather3A_47, %gather3A_52 {pack_format = #tpu.pack_format<interleaved>, positions = array<i32: 0, 1>} : vector<16xf32>, vector<16xf32> -> vector<32xbf16>
    %bitcast3A_54 = vector.bitcast %pack3A_53 : vector<32xbf16> to vector<16xi32>
    %add3A_55 = arith.constant 2 : i32
    %add3A_56 = vector.broadcast %add3A_55 : i32 to vector<16xi32>
    %add3A_57 = arith.addi %mul3A_1, %add3A_56 : vector<16xi32>
    tpu.vector_store_idx %arg10[%add3A_57], %bitcast3A_54 : memref<528xi32, #tpu.memory_space<vmem>>[vector<16xi32>], vector<16xi32>,
    %mul3A_58 = arith.constant 4 : i32
    %mul3A_59 = arith.muli %arg1, %mul3A_58 : i32
    %add3A_60 = arith.constant 3 : i32
    %add3A_61 = arith.addi %mul3A_59, %add3A_60 : i32
    %broadcast_in_dim3A_62 = arith.constant 0 : i32
    %broadcast_in_dim3A_63 = vector.broadcast %broadcast_in_dim3A_62 : i32 to vector<16xi32>
    %add3A_64 = vector.broadcast %add3A_61 : i32 to vector<16xi32>
    %add3A_65 = arith.addi %broadcast_in_dim3A_63, %add3A_64 : vector<16xi32>
    %gather3A_66 = tpu.vector_load_idx %arg9[%add3A_65] : memref<512xf32, #tpu.memory_space<vmem>>[vector<16xi32>], vector<16xf32>,
    %broadcast_in_dim3A_67 = arith.constant 64 : i32
    %broadcast_in_dim3A_68 = vector.broadcast %broadcast_in_dim3A_67 : i32 to vector<16xi32>
    %add3A_69 = vector.broadcast %add3A_61 : i32 to vector<16xi32>
    %add3A_70 = arith.addi %broadcast_in_dim3A_68, %add3A_69 : vector<16xi32>
    %gather3A_71 = tpu.vector_load_idx %arg9[%add3A_70] : memref<512xf32, #tpu.memory_space<vmem>>[vector<16xi32>], vector<16xf32>,
    %pack3A_72 = tpu.pack_subelements %gather3A_66, %gather3A_71 {pack_format = #tpu.pack_format<interleaved>, positions = array<i32: 0, 1>} : vector<16xf32>, vector<16xf32> -> vector<32xbf16>
    %bitcast3A_73 = vector.bitcast %pack3A_72 : vector<32xbf16> to vector<16xi32>
    %add3A_74 = arith.constant 3 : i32
    %add3A_75 = vector.broadcast %add3A_74 : i32 to vector<16xi32>
    %add3A_76 = arith.addi %mul3A_1, %add3A_75 : vector<16xi32>
    tpu.vector_store_idx %arg10[%add3A_76], %bitcast3A_73 : memref<528xi32, #tpu.memory_space<vmem>>[vector<16xi32>], vector<16xi32>,
    %mul3A_77 = arith.constant 4 : i32
    %mul3A_78 = arith.muli %arg1, %mul3A_77 : i32
    %add3A_79 = arith.constant 0 : i32
    %add3A_80 = arith.addi %mul3A_78, %add3A_79 : i32
    %broadcast_in_dim3A_81 = arith.constant 128 : i32
    %broadcast_in_dim3A_82 = vector.broadcast %broadcast_in_dim3A_81 : i32 to vector<16xi32>
    %add3A_83 = vector.broadcast %add3A_80 : i32 to vector<16xi32>
    %add3A_84 = arith.addi %broadcast_in_dim3A_82, %add3A_83 : vector<16xi32>
    %gather3A_85 = tpu.vector_load_idx %arg9[%add3A_84] : memref<512xf32, #tpu.memory_space<vmem>>[vector<16xi32>], vector<16xf32>,
    %broadcast_in_dim3A_86 = arith.constant 192 : i32
    %broadcast_in_dim3A_87 = vector.broadcast %broadcast_in_dim3A_86 : i32 to vector<16xi32>
    %add3A_88 = vector.broadcast %add3A_80 : i32 to vector<16xi32>
    %add3A_89 = arith.addi %broadcast_in_dim3A_87, %add3A_88 : vector<16xi32>
    %gather3A_90 = tpu.vector_load_idx %arg9[%add3A_89] : memref<512xf32, #tpu.memory_space<vmem>>[vector<16xi32>], vector<16xf32>,
    %pack3A_91 = tpu.pack_subelements %gather3A_85, %gather3A_90 {pack_format = #tpu.pack_format<interleaved>, positions = array<i32: 0, 1>} : vector<16xf32>, vector<16xf32> -> vector<32xbf16>
    %bitcast3A_92 = vector.bitcast %pack3A_91 : vector<32xbf16> to vector<16xi32>
    %add3A_93 = arith.constant 4 : i32
    %add3A_94 = vector.broadcast %add3A_93 : i32 to vector<16xi32>
    %add3A_95 = arith.addi %mul3A_1, %add3A_94 : vector<16xi32>
    tpu.vector_store_idx %arg10[%add3A_95], %bitcast3A_92 : memref<528xi32, #tpu.memory_space<vmem>>[vector<16xi32>], vector<16xi32>,
    %mul3A_96 = arith.constant 4 : i32
    %mul3A_97 = arith.muli %arg1, %mul3A_96 : i32
    %add3A_98 = arith.constant 1 : i32
    %add3A_99 = arith.addi %mul3A_97, %add3A_98 : i32
    %broadcast_in_dim3A_100 = arith.constant 128 : i32
    %broadcast_in_dim3A_101 = vector.broadcast %broadcast_in_dim3A_100 : i32 to vector<16xi32>
    %add3A_102 = vector.broadcast %add3A_99 : i32 to vector<16xi32>
    %add3A_103 = arith.addi %broadcast_in_dim3A_101, %add3A_102 : vector<16xi32>
    %gather3A_104 = tpu.vector_load_idx %arg9[%add3A_103] : memref<512xf32, #tpu.memory_space<vmem>>[vector<16xi32>], vector<16xf32>,
    %broadcast_in_dim3A_105 = arith.constant 192 : i32
    %broadcast_in_dim3A_106 = vector.broadcast %broadcast_in_dim3A_105 : i32 to vector<16xi32>
    %add3A_107 = vector.broadcast %add3A_99 : i32 to vector<16xi32>
    %add3A_108 = arith.addi %broadcast_in_dim3A_106, %add3A_107 : vector<16xi32>
    %gather3A_109 = tpu.vector_load_idx %arg9[%add3A_108] : memref<512xf32, #tpu.memory_space<vmem>>[vector<16xi32>], vector<16xf32>,
    %pack3A_110 = tpu.pack_subelements %gather3A_104, %gather3A_109 {pack_format = #tpu.pack_format<interleaved>, positions = array<i32: 0, 1>} : vector<16xf32>, vector<16xf32> -> vector<32xbf16>
    %bitcast3A_111 = vector.bitcast %pack3A_110 : vector<32xbf16> to vector<16xi32>
    %add3A_112 = arith.constant 5 : i32
    %add3A_113 = vector.broadcast %add3A_112 : i32 to vector<16xi32>
    %add3A_114 = arith.addi %mul3A_1, %add3A_113 : vector<16xi32>
    tpu.vector_store_idx %arg10[%add3A_114], %bitcast3A_111 : memref<528xi32, #tpu.memory_space<vmem>>[vector<16xi32>], vector<16xi32>,
    %mul3A_115 = arith.constant 4 : i32
    %mul3A_116 = arith.muli %arg1, %mul3A_115 : i32
    %add3A_117 = arith.constant 2 : i32
    %add3A_118 = arith.addi %mul3A_116, %add3A_117 : i32
    %broadcast_in_dim3A_119 = arith.constant 128 : i32
    %broadcast_in_dim3A_120 = vector.broadcast %broadcast_in_dim3A_119 : i32 to vector<16xi32>
    %add3A_121 = vector.broadcast %add3A_118 : i32 to vector<16xi32>
    %add3A_122 = arith.addi %broadcast_in_dim3A_120, %add3A_121 : vector<16xi32>
    %gather3A_123 = tpu.vector_load_idx %arg9[%add3A_122] : memref<512xf32, #tpu.memory_space<vmem>>[vector<16xi32>], vector<16xf32>,
    %broadcast_in_dim3A_124 = arith.constant 192 : i32
    %broadcast_in_dim3A_125 = vector.broadcast %broadcast_in_dim3A_124 : i32 to vector<16xi32>
    %add3A_126 = vector.broadcast %add3A_118 : i32 to vector<16xi32>
    %add3A_127 = arith.addi %broadcast_in_dim3A_125, %add3A_126 : vector<16xi32>
    %gather3A_128 = tpu.vector_load_idx %arg9[%add3A_127] : memref<512xf32, #tpu.memory_space<vmem>>[vector<16xi32>], vector<16xf32>,
    %pack3A_129 = tpu.pack_subelements %gather3A_123, %gather3A_128 {pack_format = #tpu.pack_format<interleaved>, positions = array<i32: 0, 1>} : vector<16xf32>, vector<16xf32> -> vector<32xbf16>
    %bitcast3A_130 = vector.bitcast %pack3A_129 : vector<32xbf16> to vector<16xi32>
    %add3A_131 = arith.constant 6 : i32
    %add3A_132 = vector.broadcast %add3A_131 : i32 to vector<16xi32>
    %add3A_133 = arith.addi %mul3A_1, %add3A_132 : vector<16xi32>
    tpu.vector_store_idx %arg10[%add3A_133], %bitcast3A_130 : memref<528xi32, #tpu.memory_space<vmem>>[vector<16xi32>], vector<16xi32>,
    %mul3A_134 = arith.constant 4 : i32
    %mul3A_135 = arith.muli %arg1, %mul3A_134 : i32
    %add3A_136 = arith.constant 3 : i32
    %add3A_137 = arith.addi %mul3A_135, %add3A_136 : i32
    %broadcast_in_dim3A_138 = arith.constant 128 : i32
    %broadcast_in_dim3A_139 = vector.broadcast %broadcast_in_dim3A_138 : i32 to vector<16xi32>
    %add3A_140 = vector.broadcast %add3A_137 : i32 to vector<16xi32>
    %add3A_141 = arith.addi %broadcast_in_dim3A_139, %add3A_140 : vector<16xi32>
    %gather3A_142 = tpu.vector_load_idx %arg9[%add3A_141] : memref<512xf32, #tpu.memory_space<vmem>>[vector<16xi32>], vector<16xf32>,
    %broadcast_in_dim3A_143 = arith.constant 192 : i32
    %broadcast_in_dim3A_144 = vector.broadcast %broadcast_in_dim3A_143 : i32 to vector<16xi32>
    %add3A_145 = vector.broadcast %add3A_137 : i32 to vector<16xi32>
    %add3A_146 = arith.addi %broadcast_in_dim3A_144, %add3A_145 : vector<16xi32>
    %gather3A_147 = tpu.vector_load_idx %arg9[%add3A_146] : memref<512xf32, #tpu.memory_space<vmem>>[vector<16xi32>], vector<16xf32>,
    %pack3A_148 = tpu.pack_subelements %gather3A_142, %gather3A_147 {pack_format = #tpu.pack_format<interleaved>, positions = array<i32: 0, 1>} : vector<16xf32>, vector<16xf32> -> vector<32xbf16>
    %bitcast3A_149 = vector.bitcast %pack3A_148 : vector<32xbf16> to vector<16xi32>
    %add3A_150 = arith.constant 7 : i32
    %add3A_151 = vector.broadcast %add3A_150 : i32 to vector<16xi32>
    %add3A_152 = arith.addi %mul3A_1, %add3A_151 : vector<16xi32>
    tpu.vector_store_idx %arg10[%add3A_152], %bitcast3A_149 : memref<528xi32, #tpu.memory_space<vmem>>[vector<16xi32>], vector<16xi32>,
    %mul3A_153 = arith.constant 4 : i32
    %mul3A_154 = arith.muli %arg1, %mul3A_153 : i32
    %add3A_155 = arith.constant 0 : i32
    %add3A_156 = arith.addi %mul3A_154, %add3A_155 : i32
    %broadcast_in_dim3A_157 = arith.constant 256 : i32
    %broadcast_in_dim3A_158 = vector.broadcast %broadcast_in_dim3A_157 : i32 to vector<16xi32>
    %add3A_159 = vector.broadcast %add3A_156 : i32 to vector<16xi32>
    %add3A_160 = arith.addi %broadcast_in_dim3A_158, %add3A_159 : vector<16xi32>
    %gather3A_161 = tpu.vector_load_idx %arg9[%add3A_160] : memref<512xf32, #tpu.memory_space<vmem>>[vector<16xi32>], vector<16xf32>,
    %broadcast_in_dim3A_162 = arith.constant 320 : i32
    %broadcast_in_dim3A_163 = vector.broadcast %broadcast_in_dim3A_162 : i32 to vector<16xi32>
    %add3A_164 = vector.broadcast %add3A_156 : i32 to vector<16xi32>
    %add3A_165 = arith.addi %broadcast_in_dim3A_163, %add3A_164 : vector<16xi32>
    %gather3A_166 = tpu.vector_load_idx %arg9[%add3A_165] : memref<512xf32, #tpu.memory_space<vmem>>[vector<16xi32>], vector<16xf32>,
    %pack3A_167 = tpu.pack_subelements %gather3A_161, %gather3A_166 {pack_format = #tpu.pack_format<interleaved>, positions = array<i32: 0, 1>} : vector<16xf32>, vector<16xf32> -> vector<32xbf16>
    %bitcast3A_168 = vector.bitcast %pack3A_167 : vector<32xbf16> to vector<16xi32>
    %add3A_169 = arith.constant 8 : i32
    %add3A_170 = vector.broadcast %add3A_169 : i32 to vector<16xi32>
    %add3A_171 = arith.addi %mul3A_1, %add3A_170 : vector<16xi32>
    tpu.vector_store_idx %arg10[%add3A_171], %bitcast3A_168 : memref<528xi32, #tpu.memory_space<vmem>>[vector<16xi32>], vector<16xi32>,
    %mul3A_172 = arith.constant 4 : i32
    %mul3A_173 = arith.muli %arg1, %mul3A_172 : i32
    %add3A_174 = arith.constant 1 : i32
    %add3A_175 = arith.addi %mul3A_173, %add3A_174 : i32
    %broadcast_in_dim3A_176 = arith.constant 256 : i32
    %broadcast_in_dim3A_177 = vector.broadcast %broadcast_in_dim3A_176 : i32 to vector<16xi32>
    %add3A_178 = vector.broadcast %add3A_175 : i32 to vector<16xi32>
    %add3A_179 = arith.addi %broadcast_in_dim3A_177, %add3A_178 : vector<16xi32>
    %gather3A_180 = tpu.vector_load_idx %arg9[%add3A_179] : memref<512xf32, #tpu.memory_space<vmem>>[vector<16xi32>], vector<16xf32>,
    %broadcast_in_dim3A_181 = arith.constant 320 : i32
    %broadcast_in_dim3A_182 = vector.broadcast %broadcast_in_dim3A_181 : i32 to vector<16xi32>
    %add3A_183 = vector.broadcast %add3A_175 : i32 to vector<16xi32>
    %add3A_184 = arith.addi %broadcast_in_dim3A_182, %add3A_183 : vector<16xi32>
    %gather3A_185 = tpu.vector_load_idx %arg9[%add3A_184] : memref<512xf32, #tpu.memory_space<vmem>>[vector<16xi32>], vector<16xf32>,
    %pack3A_186 = tpu.pack_subelements %gather3A_180, %gather3A_185 {pack_format = #tpu.pack_format<interleaved>, positions = array<i32: 0, 1>} : vector<16xf32>, vector<16xf32> -> vector<32xbf16>
    %bitcast3A_187 = vector.bitcast %pack3A_186 : vector<32xbf16> to vector<16xi32>
    %add3A_188 = arith.constant 9 : i32
    %add3A_189 = vector.broadcast %add3A_188 : i32 to vector<16xi32>
    %add3A_190 = arith.addi %mul3A_1, %add3A_189 : vector<16xi32>
    tpu.vector_store_idx %arg10[%add3A_190], %bitcast3A_187 : memref<528xi32, #tpu.memory_space<vmem>>[vector<16xi32>], vector<16xi32>,
    %mul3A_191 = arith.constant 4 : i32
    %mul3A_192 = arith.muli %arg1, %mul3A_191 : i32
    %add3A_193 = arith.constant 2 : i32
    %add3A_194 = arith.addi %mul3A_192, %add3A_193 : i32
    %broadcast_in_dim3A_195 = arith.constant 256 : i32
    %broadcast_in_dim3A_196 = vector.broadcast %broadcast_in_dim3A_195 : i32 to vector<16xi32>
    %add3A_197 = vector.broadcast %add3A_194 : i32 to vector<16xi32>
    %add3A_198 = arith.addi %broadcast_in_dim3A_196, %add3A_197 : vector<16xi32>
    %gather3A_199 = tpu.vector_load_idx %arg9[%add3A_198] : memref<512xf32, #tpu.memory_space<vmem>>[vector<16xi32>], vector<16xf32>,
    %broadcast_in_dim3A_200 = arith.constant 320 : i32
    %broadcast_in_dim3A_201 = vector.broadcast %broadcast_in_dim3A_200 : i32 to vector<16xi32>
    %add3A_202 = vector.broadcast %add3A_194 : i32 to vector<16xi32>
    %add3A_203 = arith.addi %broadcast_in_dim3A_201, %add3A_202 : vector<16xi32>
    %gather3A_204 = tpu.vector_load_idx %arg9[%add3A_203] : memref<512xf32, #tpu.memory_space<vmem>>[vector<16xi32>], vector<16xf32>,
    %pack3A_205 = tpu.pack_subelements %gather3A_199, %gather3A_204 {pack_format = #tpu.pack_format<interleaved>, positions = array<i32: 0, 1>} : vector<16xf32>, vector<16xf32> -> vector<32xbf16>
    %bitcast3A_206 = vector.bitcast %pack3A_205 : vector<32xbf16> to vector<16xi32>
    %add3A_207 = arith.constant 10 : i32
    %add3A_208 = vector.broadcast %add3A_207 : i32 to vector<16xi32>
    %add3A_209 = arith.addi %mul3A_1, %add3A_208 : vector<16xi32>
    tpu.vector_store_idx %arg10[%add3A_209], %bitcast3A_206 : memref<528xi32, #tpu.memory_space<vmem>>[vector<16xi32>], vector<16xi32>,
    %mul3A_210 = arith.constant 4 : i32
    %mul3A_211 = arith.muli %arg1, %mul3A_210 : i32
    %add3A_212 = arith.constant 3 : i32
    %add3A_213 = arith.addi %mul3A_211, %add3A_212 : i32
    %broadcast_in_dim3A_214 = arith.constant 256 : i32
    %broadcast_in_dim3A_215 = vector.broadcast %broadcast_in_dim3A_214 : i32 to vector<16xi32>
    %add3A_216 = vector.broadcast %add3A_213 : i32 to vector<16xi32>
    %add3A_217 = arith.addi %broadcast_in_dim3A_215, %add3A_216 : vector<16xi32>
    %gather3A_218 = tpu.vector_load_idx %arg9[%add3A_217] : memref<512xf32, #tpu.memory_space<vmem>>[vector<16xi32>], vector<16xf32>,
    %broadcast_in_dim3A_219 = arith.constant 320 : i32
    %broadcast_in_dim3A_220 = vector.broadcast %broadcast_in_dim3A_219 : i32 to vector<16xi32>
    %add3A_221 = vector.broadcast %add3A_213 : i32 to vector<16xi32>
    %add3A_222 = arith.addi %broadcast_in_dim3A_220, %add3A_221 : vector<16xi32>
    %gather3A_223 = tpu.vector_load_idx %arg9[%add3A_222] : memref<512xf32, #tpu.memory_space<vmem>>[vector<16xi32>], vector<16xf32>,
    %pack3A_224 = tpu.pack_subelements %gather3A_218, %gather3A_223 {pack_format = #tpu.pack_format<interleaved>, positions = array<i32: 0, 1>} : vector<16xf32>, vector<16xf32> -> vector<32xbf16>
    %bitcast3A_225 = vector.bitcast %pack3A_224 : vector<32xbf16> to vector<16xi32>
    %add3A_226 = arith.constant 11 : i32
    %add3A_227 = vector.broadcast %add3A_226 : i32 to vector<16xi32>
    %add3A_228 = arith.addi %mul3A_1, %add3A_227 : vector<16xi32>
    tpu.vector_store_idx %arg10[%add3A_228], %bitcast3A_225 : memref<528xi32, #tpu.memory_space<vmem>>[vector<16xi32>], vector<16xi32>,
    %mul3A_229 = arith.constant 4 : i32
    %mul3A_230 = arith.muli %arg1, %mul3A_229 : i32
    %add3A_231 = arith.constant 0 : i32
    %add3A_232 = arith.addi %mul3A_230, %add3A_231 : i32
    %broadcast_in_dim3A_233 = arith.constant 384 : i32
    %broadcast_in_dim3A_234 = vector.broadcast %broadcast_in_dim3A_233 : i32 to vector<16xi32>
    %add3A_235 = vector.broadcast %add3A_232 : i32 to vector<16xi32>
    %add3A_236 = arith.addi %broadcast_in_dim3A_234, %add3A_235 : vector<16xi32>
    %gather3A_237 = tpu.vector_load_idx %arg9[%add3A_236] : memref<512xf32, #tpu.memory_space<vmem>>[vector<16xi32>], vector<16xf32>,
    %broadcast_in_dim3A_238 = arith.constant 448 : i32
    %broadcast_in_dim3A_239 = vector.broadcast %broadcast_in_dim3A_238 : i32 to vector<16xi32>
    %add3A_240 = vector.broadcast %add3A_232 : i32 to vector<16xi32>
    %add3A_241 = arith.addi %broadcast_in_dim3A_239, %add3A_240 : vector<16xi32>
    %gather3A_242 = tpu.vector_load_idx %arg9[%add3A_241] : memref<512xf32, #tpu.memory_space<vmem>>[vector<16xi32>], vector<16xf32>,
    %pack3A_243 = tpu.pack_subelements %gather3A_237, %gather3A_242 {pack_format = #tpu.pack_format<interleaved>, positions = array<i32: 0, 1>} : vector<16xf32>, vector<16xf32> -> vector<32xbf16>
    %bitcast3A_244 = vector.bitcast %pack3A_243 : vector<32xbf16> to vector<16xi32>
    %add3A_245 = arith.constant 12 : i32
    %add3A_246 = vector.broadcast %add3A_245 : i32 to vector<16xi32>
    %add3A_247 = arith.addi %mul3A_1, %add3A_246 : vector<16xi32>
    tpu.vector_store_idx %arg10[%add3A_247], %bitcast3A_244 : memref<528xi32, #tpu.memory_space<vmem>>[vector<16xi32>], vector<16xi32>,
    %mul3A_248 = arith.constant 4 : i32
    %mul3A_249 = arith.muli %arg1, %mul3A_248 : i32
    %add3A_250 = arith.constant 1 : i32
    %add3A_251 = arith.addi %mul3A_249, %add3A_250 : i32
    %broadcast_in_dim3A_252 = arith.constant 384 : i32
    %broadcast_in_dim3A_253 = vector.broadcast %broadcast_in_dim3A_252 : i32 to vector<16xi32>
    %add3A_254 = vector.broadcast %add3A_251 : i32 to vector<16xi32>
    %add3A_255 = arith.addi %broadcast_in_dim3A_253, %add3A_254 : vector<16xi32>
    %gather3A_256 = tpu.vector_load_idx %arg9[%add3A_255] : memref<512xf32, #tpu.memory_space<vmem>>[vector<16xi32>], vector<16xf32>,
    %broadcast_in_dim3A_257 = arith.constant 448 : i32
    %broadcast_in_dim3A_258 = vector.broadcast %broadcast_in_dim3A_257 : i32 to vector<16xi32>
    %add3A_259 = vector.broadcast %add3A_251 : i32 to vector<16xi32>
    %add3A_260 = arith.addi %broadcast_in_dim3A_258, %add3A_259 : vector<16xi32>
    %gather3A_261 = tpu.vector_load_idx %arg9[%add3A_260] : memref<512xf32, #tpu.memory_space<vmem>>[vector<16xi32>], vector<16xf32>,
    %pack3A_262 = tpu.pack_subelements %gather3A_256, %gather3A_261 {pack_format = #tpu.pack_format<interleaved>, positions = array<i32: 0, 1>} : vector<16xf32>, vector<16xf32> -> vector<32xbf16>
    %bitcast3A_263 = vector.bitcast %pack3A_262 : vector<32xbf16> to vector<16xi32>
    %add3A_264 = arith.constant 13 : i32
    %add3A_265 = vector.broadcast %add3A_264 : i32 to vector<16xi32>
    %add3A_266 = arith.addi %mul3A_1, %add3A_265 : vector<16xi32>
    tpu.vector_store_idx %arg10[%add3A_266], %bitcast3A_263 : memref<528xi32, #tpu.memory_space<vmem>>[vector<16xi32>], vector<16xi32>,
    %mul3A_267 = arith.constant 4 : i32
    %mul3A_268 = arith.muli %arg1, %mul3A_267 : i32
    %add3A_269 = arith.constant 2 : i32
    %add3A_270 = arith.addi %mul3A_268, %add3A_269 : i32
    %broadcast_in_dim3A_271 = arith.constant 384 : i32
    %broadcast_in_dim3A_272 = vector.broadcast %broadcast_in_dim3A_271 : i32 to vector<16xi32>
    %add3A_273 = vector.broadcast %add3A_270 : i32 to vector<16xi32>
    %add3A_274 = arith.addi %broadcast_in_dim3A_272, %add3A_273 : vector<16xi32>
    %gather3A_275 = tpu.vector_load_idx %arg9[%add3A_274] : memref<512xf32, #tpu.memory_space<vmem>>[vector<16xi32>], vector<16xf32>,
    %broadcast_in_dim3A_276 = arith.constant 448 : i32
    %broadcast_in_dim3A_277 = vector.broadcast %broadcast_in_dim3A_276 : i32 to vector<16xi32>
    %add3A_278 = vector.broadcast %add3A_270 : i32 to vector<16xi32>
    %add3A_279 = arith.addi %broadcast_in_dim3A_277, %add3A_278 : vector<16xi32>
    %gather3A_280 = tpu.vector_load_idx %arg9[%add3A_279] : memref<512xf32, #tpu.memory_space<vmem>>[vector<16xi32>], vector<16xf32>,
    %pack3A_281 = tpu.pack_subelements %gather3A_275, %gather3A_280 {pack_format = #tpu.pack_format<interleaved>, positions = array<i32: 0, 1>} : vector<16xf32>, vector<16xf32> -> vector<32xbf16>
    %bitcast3A_282 = vector.bitcast %pack3A_281 : vector<32xbf16> to vector<16xi32>
    %add3A_283 = arith.constant 14 : i32
    %add3A_284 = vector.broadcast %add3A_283 : i32 to vector<16xi32>
    %add3A_285 = arith.addi %mul3A_1, %add3A_284 : vector<16xi32>
    tpu.vector_store_idx %arg10[%add3A_285], %bitcast3A_282 : memref<528xi32, #tpu.memory_space<vmem>>[vector<16xi32>], vector<16xi32>,
    %mul3A_286 = arith.constant 4 : i32
    %mul3A_287 = arith.muli %arg1, %mul3A_286 : i32
    %add3A_288 = arith.constant 3 : i32
    %add3A_289 = arith.addi %mul3A_287, %add3A_288 : i32
    %broadcast_in_dim3A_290 = arith.constant 384 : i32
    %broadcast_in_dim3A_291 = vector.broadcast %broadcast_in_dim3A_290 : i32 to vector<16xi32>
    %add3A_292 = vector.broadcast %add3A_289 : i32 to vector<16xi32>
    %add3A_293 = arith.addi %broadcast_in_dim3A_291, %add3A_292 : vector<16xi32>
    %gather3A_294 = tpu.vector_load_idx %arg9[%add3A_293] : memref<512xf32, #tpu.memory_space<vmem>>[vector<16xi32>], vector<16xf32>,
    %broadcast_in_dim3A_295 = arith.constant 448 : i32
    %broadcast_in_dim3A_296 = vector.broadcast %broadcast_in_dim3A_295 : i32 to vector<16xi32>
    %add3A_297 = vector.broadcast %add3A_289 : i32 to vector<16xi32>
    %add3A_298 = arith.addi %broadcast_in_dim3A_296, %add3A_297 : vector<16xi32>
    %gather3A_299 = tpu.vector_load_idx %arg9[%add3A_298] : memref<512xf32, #tpu.memory_space<vmem>>[vector<16xi32>], vector<16xf32>,
    %pack3A_300 = tpu.pack_subelements %gather3A_294, %gather3A_299 {pack_format = #tpu.pack_format<interleaved>, positions = array<i32: 0, 1>} : vector<16xf32>, vector<16xf32> -> vector<32xbf16>
    %bitcast3A_301 = vector.bitcast %pack3A_300 : vector<32xbf16> to vector<16xi32>
    %add3A_302 = arith.constant 15 : i32
    %add3A_303 = vector.broadcast %add3A_302 : i32 to vector<16xi32>
    %add3A_304 = arith.addi %mul3A_1, %add3A_303 : vector<16xi32>
    tpu.vector_store_idx %arg10[%add3A_304], %bitcast3A_301 : memref<528xi32, #tpu.memory_space<vmem>>[vector<16xi32>], vector<16xi32>,
    %barrier3A = arith.constant 0 : index
    tpu.barrier barrier_id(%barrier3A)
    %multiple_of3A_305 = arith.constant 0 : i32
    %multiple_of3A_306 = tpu.assume_multiple %multiple_of3A_305, 8000 : i32
    %dma_start3A = tpu.memref_slice %arg11[%multiple_of3A_306] : memref<160000xi32, #tpu.memory_space<vmem_shared>> -> memref<8000xi32, #tpu.memory_space<vmem_shared>>
    %dma_start3A_307 = tpu.memref_slice %arg11[%multiple_of3A_306] : memref<160000xi32, #tpu.memory_space<vmem_shared>> -> memref<8000xi32, #tpu.memory_space<vmem_shared>>
    tpu.enqueue_dma source(%dma_start3A_307 : memref<8000xi32, #tpu.memory_space<vmem_shared>>) target(%arg12 : memref<8000xi32, #tpu.memory_space<vmem>>) target_semaphore(%arg16 : memref<!tpu.dma_semaphore, #tpu.memory_space<semaphore_mem>>)
    %scan3A = arith.constant 0 : i32
    %scan3A_308 = arith.constant 0 : i32
    %scan3A_309 = arith.constant 10 : i32
    %scan3A_310 = arith.addi %scan3A_308, %scan3A_309 : i32
    %scan3A_311 = arith.constant 1 : i32
    scf.for %scan3A_320 = %scan3A_308 to %scan3A_310 step %scan3A_311  : i32 {
      %mul3A_321 = arith.constant 2 : i32
      %mul3A_322 = arith.muli %scan3A_320, %mul3A_321 : i32
      %add3A_323 = arith.constant 1 : i32
      %add3A_324 = arith.addi %mul3A_322, %add3A_323 : i32
      %mul3A_325 = arith.constant 8000 : i32
      %mul3A_326 = arith.muli %add3A_324, %mul3A_325 : i32
      %multiple_of3A_327 = tpu.assume_multiple %mul3A_326, 8000 : i32
      %dma_start3A_328 = tpu.memref_slice %arg11[%multiple_of3A_327] : memref<160000xi32, #tpu.memory_space<vmem_shared>> -> memref<8000xi32, #tpu.memory_space<vmem_shared>>
      %dma_start3A_329 = tpu.memref_slice %arg11[%multiple_of3A_327] : memref<160000xi32, #tpu.memory_space<vmem_shared>> -> memref<8000xi32, #tpu.memory_space<vmem_shared>>
      tpu.enqueue_dma source(%dma_start3A_329 : memref<8000xi32, #tpu.memory_space<vmem_shared>>) target(%arg14 : memref<8000xi32, #tpu.memory_space<vmem>>) target_semaphore(%arg17 : memref<!tpu.dma_semaphore, #tpu.memory_space<semaphore_mem>>)
      %dma_wait3A_330 = arith.constant 0 : i32
      %dma_wait3A_331 = tpu.memref_slice %arg11[%dma_wait3A_330] : memref<160000xi32, #tpu.memory_space<vmem_shared>> -> memref<8000xi32, #tpu.memory_space<vmem_shared>>
      %dma_wait3A_332 = arith.constant 0 : i32
      %dma_wait3A_333 = tpu.memref_slice %arg11[%dma_wait3A_332] : memref<160000xi32, #tpu.memory_space<vmem_shared>> -> memref<8000xi32, #tpu.memory_space<vmem_shared>>
      tpu.wait_dma2 semaphore(%arg16 : memref<!tpu.dma_semaphore, #tpu.memory_space<semaphore_mem>>) src(%dma_wait3A_333 : memref<8000xi32, #tpu.memory_space<vmem_shared>>) dst(%arg12 : memref<8000xi32, #tpu.memory_space<vmem>>)
      %gt3A = arith.constant 0 : i32
      %gt3A_334 = arith.cmpi sgt, %scan3A_320, %gt3A : i32
      %convert_element_type3A_335 = arith.extui %gt3A_334 : i1 to i32
      %cond3A_336 = arith.constant 0 : i32
      %cond3A_337 = arith.cmpi ne, %convert_element_type3A_335, %cond3A_336 : i32
      scf.if %cond3A_337 {
        %dma_wait3A_389 = arith.constant 0 : i32
        %dma_wait3A_390 = tpu.memref_slice %arg6[%dma_wait3A_389] : memref<5120000xf32, #tpu.memory_space<hbm>> -> memref<8000xf32, #tpu.memory_space<hbm>>
        %dma_wait3A_391 = arith.constant 0 : i32
        %dma_wait3A_392 = tpu.memref_slice %arg6[%dma_wait3A_391] : memref<5120000xf32, #tpu.memory_space<hbm>> -> memref<8000xf32, #tpu.memory_space<hbm>>
        tpu.wait_dma2 semaphore(%arg18 : memref<!tpu.dma_semaphore, #tpu.memory_space<semaphore_mem>>) src(%arg13 : memref<8000xf32, #tpu.memory_space<vmem>>) dst(%dma_wait3A_392 : memref<8000xf32, #tpu.memory_space<hbm>>)
      } else {
      }
      %scan3A_338 = arith.constant 0 : i32
      %scan3A_339 = arith.constant 0 : i32
      %scan3A_340 = arith.constant 500 : i32
      %scan3A_341 = arith.addi %scan3A_339, %scan3A_340 : i32
      %scan3A_342 = arith.constant 1 : i32
      scf.for %scan3A_389 = %scan3A_339 to %scan3A_341 step %scan3A_342  : i32 {
        %mul3A_390 = arith.constant 16 : i32
        %mul3A_391 = arith.muli %scan3A_389, %mul3A_390 : i32
        %get3A = arith.index_cast %mul3A_391 : i32 to index
        %get3A_392 = tpu.vector_load %arg12[%get3A] {strides = array<i32>} : memref<8000xi32, #tpu.memory_space<vmem>>, vector<16xi32>,
        %and3A = arith.constant 16383 : i32
        %and3A_393 = vector.broadcast %and3A : i32 to vector<16xi32>
        %and3A_394 = arith.andi %get3A_392, %and3A_393 : vector<16xi32>
        %shift_right_logical3A = arith.constant 14 : i32
        %shift_right_logical3A_395 = vector.broadcast %shift_right_logical3A : i32 to vector<16xi32>
        %shift_right_logical3A_396 = arith.shrui %get3A_392, %shift_right_logical3A_395 : vector<16xi32>
        %and3A_397 = arith.constant 16383 : i32
        %and3A_398 = vector.broadcast %and3A_397 : i32 to vector<16xi32>
        %and3A_399 = arith.andi %shift_right_logical3A_396, %and3A_398 : vector<16xi32>
        %shift_right_logical3A_400 = arith.constant 28 : i32
        %shift_right_logical3A_401 = vector.broadcast %shift_right_logical3A_400 : i32 to vector<16xi32>
        %shift_right_logical3A_402 = arith.shrui %get3A_392, %shift_right_logical3A_401 : vector<16xi32>
        %shift_left3A = arith.constant 2 : i32
        %shift_left3A_403 = vector.broadcast %shift_left3A : i32 to vector<16xi32>
        %shift_left3A_404 = arith.shli %shift_right_logical3A_402, %shift_left3A_403 : vector<16xi32>
        %add3A_405 = arith.addi %mul3A_1, %shift_left3A_404 : vector<16xi32>
        %broadcast_in_dim3A_406 = arith.constant 0.000000e+00 : f32
        %broadcast_in_dim3A_407 = vector.broadcast %broadcast_in_dim3A_406 : f32 to vector<16xf32>
        %add3A_408 = arith.constant 0 : i32
        %add3A_409 = vector.broadcast %add3A_408 : i32 to vector<16xi32>
        %add3A_410 = arith.addi %and3A_394, %add3A_409 : vector<16xi32>
        %gather3A_411 = tpu.vector_load_idx %arg7[%add3A_410] : memref<40000xi32, #tpu.memory_space<vmem>>[vector<16xi32>], vector<16xi32>,
        %add3A_412 = arith.constant 0 : i32
        %add3A_413 = vector.broadcast %add3A_412 : i32 to vector<16xi32>
        %add3A_414 = arith.addi %and3A_399, %add3A_413 : vector<16xi32>
        %gather3A_415 = tpu.vector_load_idx %arg8[%add3A_414] : memref<40000xi32, #tpu.memory_space<vmem>>[vector<16xi32>], vector<16xi32>,
        %bitcast3A_416 = vector.bitcast %gather3A_411 : vector<16xi32> to vector<32xbf16>
        %bitcast3A_417 = vector.bitcast %gather3A_415 : vector<16xi32> to vector<32xbf16>
        %mul3A_418 = arith.mulf %bitcast3A_416, %bitcast3A_417 : vector<32xbf16>
        %unpack3A = tpu.unpack_subelements %mul3A_418, 0 {pack_format = #tpu.pack_format<interleaved>} : vector<32xbf16> -> vector<16xf32>
        %unpack3A_419 = tpu.unpack_subelements %mul3A_418, 1 {pack_format = #tpu.pack_format<interleaved>} : vector<32xbf16> -> vector<16xf32>
        %add3A_420 = arith.constant 0 : i32
        %add3A_421 = vector.broadcast %add3A_420 : i32 to vector<16xi32>
        %add3A_422 = arith.addi %add3A_405, %add3A_421 : vector<16xi32>
        %gather3A_423 = tpu.vector_load_idx %arg10[%add3A_422] : memref<528xi32, #tpu.memory_space<vmem>>[vector<16xi32>], vector<16xi32>,
        %bitcast3A_424 = vector.bitcast %gather3A_423 : vector<16xi32> to vector<32xbf16>
        %unpack3A_425 = tpu.unpack_subelements %bitcast3A_424, 0 {pack_format = #tpu.pack_format<interleaved>} : vector<32xbf16> -> vector<16xf32>
        %unpack3A_426 = tpu.unpack_subelements %bitcast3A_424, 1 {pack_format = #tpu.pack_format<interleaved>} : vector<32xbf16> -> vector<16xf32>
        %mul3A_427 = arith.mulf %unpack3A, %unpack3A_425 : vector<16xf32>
        %add3A_428 = arith.addf %broadcast_in_dim3A_407, %mul3A_427 : vector<16xf32>
        %mul3A_429 = arith.mulf %unpack3A_419, %unpack3A_426 : vector<16xf32>
        %add3A_430 = arith.addf %add3A_428, %mul3A_429 : vector<16xf32>
        %add3A_431 = arith.constant 10000 : i32
        %add3A_432 = vector.broadcast %add3A_431 : i32 to vector<16xi32>
        %add3A_433 = arith.addi %and3A_394, %add3A_432 : vector<16xi32>
        %gather3A_434 = tpu.vector_load_idx %arg7[%add3A_433] : memref<40000xi32, #tpu.memory_space<vmem>>[vector<16xi32>], vector<16xi32>,
        %add3A_435 = arith.constant 10000 : i32
        %add3A_436 = vector.broadcast %add3A_435 : i32 to vector<16xi32>
        %add3A_437 = arith.addi %and3A_399, %add3A_436 : vector<16xi32>
        %gather3A_438 = tpu.vector_load_idx %arg8[%add3A_437] : memref<40000xi32, #tpu.memory_space<vmem>>[vector<16xi32>], vector<16xi32>,
        %bitcast3A_439 = vector.bitcast %gather3A_434 : vector<16xi32> to vector<32xbf16>
        %bitcast3A_440 = vector.bitcast %gather3A_438 : vector<16xi32> to vector<32xbf16>
        %mul3A_441 = arith.mulf %bitcast3A_439, %bitcast3A_440 : vector<32xbf16>
        %unpack3A_442 = tpu.unpack_subelements %mul3A_441, 0 {pack_format = #tpu.pack_format<interleaved>} : vector<32xbf16> -> vector<16xf32>
        %unpack3A_443 = tpu.unpack_subelements %mul3A_441, 1 {pack_format = #tpu.pack_format<interleaved>} : vector<32xbf16> -> vector<16xf32>
        %add3A_444 = arith.constant 1 : i32
        %add3A_445 = vector.broadcast %add3A_444 : i32 to vector<16xi32>
        %add3A_446 = arith.addi %add3A_405, %add3A_445 : vector<16xi32>
        %gather3A_447 = tpu.vector_load_idx %arg10[%add3A_446] : memref<528xi32, #tpu.memory_space<vmem>>[vector<16xi32>], vector<16xi32>,
        %bitcast3A_448 = vector.bitcast %gather3A_447 : vector<16xi32> to vector<32xbf16>
        %unpack3A_449 = tpu.unpack_subelements %bitcast3A_448, 0 {pack_format = #tpu.pack_format<interleaved>} : vector<32xbf16> -> vector<16xf32>
        %unpack3A_450 = tpu.unpack_subelements %bitcast3A_448, 1 {pack_format = #tpu.pack_format<interleaved>} : vector<32xbf16> -> vector<16xf32>
        %mul3A_451 = arith.mulf %unpack3A_442, %unpack3A_449 : vector<16xf32>
        %add3A_452 = arith.addf %add3A_430, %mul3A_451 : vector<16xf32>
        %mul3A_453 = arith.mulf %unpack3A_443, %unpack3A_450 : vector<16xf32>
        %add3A_454 = arith.addf %add3A_452, %mul3A_453 : vector<16xf32>
        %add3A_455 = arith.constant 20000 : i32
        %add3A_456 = vector.broadcast %add3A_455 : i32 to vector<16xi32>
        %add3A_457 = arith.addi %and3A_394, %add3A_456 : vector<16xi32>
        %gather3A_458 = tpu.vector_load_idx %arg7[%add3A_457] : memref<40000xi32, #tpu.memory_space<vmem>>[vector<16xi32>], vector<16xi32>,
        %add3A_459 = arith.constant 20000 : i32
        %add3A_460 = vector.broadcast %add3A_459 : i32 to vector<16xi32>
        %add3A_461 = arith.addi %and3A_399, %add3A_460 : vector<16xi32>
        %gather3A_462 = tpu.vector_load_idx %arg8[%add3A_461] : memref<40000xi32, #tpu.memory_space<vmem>>[vector<16xi32>], vector<16xi32>,
        %bitcast3A_463 = vector.bitcast %gather3A_458 : vector<16xi32> to vector<32xbf16>
        %bitcast3A_464 = vector.bitcast %gather3A_462 : vector<16xi32> to vector<32xbf16>
        %mul3A_465 = arith.mulf %bitcast3A_463, %bitcast3A_464 : vector<32xbf16>
        %unpack3A_466 = tpu.unpack_subelements %mul3A_465, 0 {pack_format = #tpu.pack_format<interleaved>} : vector<32xbf16> -> vector<16xf32>
        %unpack3A_467 = tpu.unpack_subelements %mul3A_465, 1 {pack_format = #tpu.pack_format<interleaved>} : vector<32xbf16> -> vector<16xf32>
        %add3A_468 = arith.constant 2 : i32
        %add3A_469 = vector.broadcast %add3A_468 : i32 to vector<16xi32>
        %add3A_470 = arith.addi %add3A_405, %add3A_469 : vector<16xi32>
        %gather3A_471 = tpu.vector_load_idx %arg10[%add3A_470] : memref<528xi32, #tpu.memory_space<vmem>>[vector<16xi32>], vector<16xi32>,
        %bitcast3A_472 = vector.bitcast %gather3A_471 : vector<16xi32> to vector<32xbf16>
        %unpack3A_473 = tpu.unpack_subelements %bitcast3A_472, 0 {pack_format = #tpu.pack_format<interleaved>} : vector<32xbf16> -> vector<16xf32>
        %unpack3A_474 = tpu.unpack_subelements %bitcast3A_472, 1 {pack_format = #tpu.pack_format<interleaved>} : vector<32xbf16> -> vector<16xf32>
        %mul3A_475 = arith.mulf %unpack3A_466, %unpack3A_473 : vector<16xf32>
        %add3A_476 = arith.addf %add3A_454, %mul3A_475 : vector<16xf32>
        %mul3A_477 = arith.mulf %unpack3A_467, %unpack3A_474 : vector<16xf32>
        %add3A_478 = arith.addf %add3A_476, %mul3A_477 : vector<16xf32>
        %add3A_479 = arith.constant 30000 : i32
        %add3A_480 = vector.broadcast %add3A_479 : i32 to vector<16xi32>
        %add3A_481 = arith.addi %and3A_394, %add3A_480 : vector<16xi32>
        %gather3A_482 = tpu.vector_load_idx %arg7[%add3A_481] : memref<40000xi32, #tpu.memory_space<vmem>>[vector<16xi32>], vector<16xi32>,
        %add3A_483 = arith.constant 30000 : i32
        %add3A_484 = vector.broadcast %add3A_483 : i32 to vector<16xi32>
        %add3A_485 = arith.addi %and3A_399, %add3A_484 : vector<16xi32>
        %gather3A_486 = tpu.vector_load_idx %arg8[%add3A_485] : memref<40000xi32, #tpu.memory_space<vmem>>[vector<16xi32>], vector<16xi32>,
        %bitcast3A_487 = vector.bitcast %gather3A_482 : vector<16xi32> to vector<32xbf16>
        %bitcast3A_488 = vector.bitcast %gather3A_486 : vector<16xi32> to vector<32xbf16>
        %mul3A_489 = arith.mulf %bitcast3A_487, %bitcast3A_488 : vector<32xbf16>
        %unpack3A_490 = tpu.unpack_subelements %mul3A_489, 0 {pack_format = #tpu.pack_format<interleaved>} : vector<32xbf16> -> vector<16xf32>
        %unpack3A_491 = tpu.unpack_subelements %mul3A_489, 1 {pack_format = #tpu.pack_format<interleaved>} : vector<32xbf16> -> vector<16xf32>
        %add3A_492 = arith.constant 3 : i32
        %add3A_493 = vector.broadcast %add3A_492 : i32 to vector<16xi32>
        %add3A_494 = arith.addi %add3A_405, %add3A_493 : vector<16xi32>
        %gather3A_495 = tpu.vector_load_idx %arg10[%add3A_494] : memref<528xi32, #tpu.memory_space<vmem>>[vector<16xi32>], vector<16xi32>,
        %bitcast3A_496 = vector.bitcast %gather3A_495 : vector<16xi32> to vector<32xbf16>
        %unpack3A_497 = tpu.unpack_subelements %bitcast3A_496, 0 {pack_format = #tpu.pack_format<interleaved>} : vector<32xbf16> -> vector<16xf32>
        %unpack3A_498 = tpu.unpack_subelements %bitcast3A_496, 1 {pack_format = #tpu.pack_format<interleaved>} : vector<32xbf16> -> vector<16xf32>
        %mul3A_499 = arith.mulf %unpack3A_490, %unpack3A_497 : vector<16xf32>
        %add3A_500 = arith.addf %add3A_478, %mul3A_499 : vector<16xf32>
        %mul3A_501 = arith.mulf %unpack3A_491, %unpack3A_498 : vector<16xf32>
        %add3A_502 = arith.addf %add3A_500, %mul3A_501 : vector<16xf32>
        %swap3A = arith.index_cast %mul3A_391 : i32 to index
        %swap3A_503 = tpu.vector_load %arg13[%swap3A] {strides = array<i32>} : memref<8000xf32, #tpu.memory_space<vmem>>, vector<16xf32>,
        tpu.vector_store %arg13[%swap3A], %add3A_502 {strides = array<i32>} : memref<8000xf32, #tpu.memory_space<vmem>>, vector<16xf32>,
      }
      %scan3A_343 = arith.constant 500 : i32
      %mul3A_344 = arith.constant 320000 : i32
      %mul3A_345 = arith.muli %arg1, %mul3A_344 : i32
      %mul3A_346 = arith.constant 160000 : i32
      %mul3A_347 = arith.muli %arg0, %mul3A_346 : i32
      %add3A_348 = arith.addi %mul3A_345, %mul3A_347 : i32
      %mul3A_349 = arith.constant 8000 : i32
      %mul3A_350 = arith.muli %mul3A_322, %mul3A_349 : i32
      %add3A_351 = arith.addi %add3A_348, %mul3A_350 : i32
      %multiple_of3A_352 = tpu.assume_multiple %add3A_351, 8000 : i32
      %dma_start3A_353 = tpu.memref_slice %arg6[%multiple_of3A_352] : memref<5120000xf32, #tpu.memory_space<hbm>> -> memref<8000xf32, #tpu.memory_space<hbm>>
      %dma_start3A_354 = tpu.memref_slice %arg6[%multiple_of3A_352] : memref<5120000xf32, #tpu.memory_space<hbm>> -> memref<8000xf32, #tpu.memory_space<hbm>>
      tpu.enqueue_dma source(%arg13 : memref<8000xf32, #tpu.memory_space<vmem>>) target(%dma_start3A_354 : memref<8000xf32, #tpu.memory_space<hbm>>) target_semaphore(%arg18 : memref<!tpu.dma_semaphore, #tpu.memory_space<semaphore_mem>>)
      %add3A_355 = arith.constant 2 : i32
      %add3A_356 = arith.addi %mul3A_322, %add3A_355 : i32
      %lt3A = arith.constant 20 : i32
      %lt3A_357 = arith.cmpi slt, %add3A_356, %lt3A : i32
      %convert_element_type3A_358 = arith.extui %lt3A_357 : i1 to i32
      %cond3A_359 = arith.constant 0 : i32
      %cond3A_360 = arith.cmpi ne, %convert_element_type3A_358, %cond3A_359 : i32
      scf.if %cond3A_360 {
        %add3A_389 = arith.constant 2 : i32
        %add3A_390 = arith.addi %mul3A_322, %add3A_389 : i32
        %mul3A_391 = arith.constant 8000 : i32
        %mul3A_392 = arith.muli %add3A_390, %mul3A_391 : i32
        %multiple_of3A_393 = tpu.assume_multiple %mul3A_392, 8000 : i32
        %dma_start3A_394 = tpu.memref_slice %arg11[%multiple_of3A_393] : memref<160000xi32, #tpu.memory_space<vmem_shared>> -> memref<8000xi32, #tpu.memory_space<vmem_shared>>
        %dma_start3A_395 = tpu.memref_slice %arg11[%multiple_of3A_393] : memref<160000xi32, #tpu.memory_space<vmem_shared>> -> memref<8000xi32, #tpu.memory_space<vmem_shared>>
        tpu.enqueue_dma source(%dma_start3A_395 : memref<8000xi32, #tpu.memory_space<vmem_shared>>) target(%arg12 : memref<8000xi32, #tpu.memory_space<vmem>>) target_semaphore(%arg16 : memref<!tpu.dma_semaphore, #tpu.memory_space<semaphore_mem>>)
      } else {
      }
      %dma_wait3A_361 = arith.constant 0 : i32
      %dma_wait3A_362 = tpu.memref_slice %arg11[%dma_wait3A_361] : memref<160000xi32, #tpu.memory_space<vmem_shared>> -> memref<8000xi32, #tpu.memory_space<vmem_shared>>
      %dma_wait3A_363 = arith.constant 0 : i32
      %dma_wait3A_364 = tpu.memref_slice %arg11[%dma_wait3A_363] : memref<160000xi32, #tpu.memory_space<vmem_shared>> -> memref<8000xi32, #tpu.memory_space<vmem_shared>>
      tpu.wait_dma2 semaphore(%arg17 : memref<!tpu.dma_semaphore, #tpu.memory_space<semaphore_mem>>) src(%dma_wait3A_364 : memref<8000xi32, #tpu.memory_space<vmem_shared>>) dst(%arg14 : memref<8000xi32, #tpu.memory_space<vmem>>)
      %gt3A_365 = arith.constant 0 : i32
      %gt3A_366 = arith.cmpi sgt, %scan3A_320, %gt3A_365 : i32
      %convert_element_type3A_367 = arith.extui %gt3A_366 : i1 to i32
      %cond3A_368 = arith.constant 0 : i32
      %cond3A_369 = arith.cmpi ne, %convert_element_type3A_367, %cond3A_368 : i32
      scf.if %cond3A_369 {
        %dma_wait3A_389 = arith.constant 0 : i32
        %dma_wait3A_390 = tpu.memref_slice %arg6[%dma_wait3A_389] : memref<5120000xf32, #tpu.memory_space<hbm>> -> memref<8000xf32, #tpu.memory_space<hbm>>
        %dma_wait3A_391 = arith.constant 0 : i32
        %dma_wait3A_392 = tpu.memref_slice %arg6[%dma_wait3A_391] : memref<5120000xf32, #tpu.memory_space<hbm>> -> memref<8000xf32, #tpu.memory_space<hbm>>
        tpu.wait_dma2 semaphore(%arg18 : memref<!tpu.dma_semaphore, #tpu.memory_space<semaphore_mem>>) src(%arg15 : memref<8000xf32, #tpu.memory_space<vmem>>) dst(%dma_wait3A_392 : memref<8000xf32, #tpu.memory_space<hbm>>)
      } else {
      }
      %scan3A_370 = arith.constant 0 : i32
      %scan3A_371 = arith.constant 0 : i32
      %scan3A_372 = arith.constant 500 : i32
      %scan3A_373 = arith.addi %scan3A_371, %scan3A_372 : i32
      %scan3A_374 = arith.constant 1 : i32
      scf.for %scan3A_389 = %scan3A_371 to %scan3A_373 step %scan3A_374  : i32 {
        %mul3A_390 = arith.constant 16 : i32
        %mul3A_391 = arith.muli %scan3A_389, %mul3A_390 : i32
        %get3A = arith.index_cast %mul3A_391 : i32 to index
        %get3A_392 = tpu.vector_load %arg14[%get3A] {strides = array<i32>} : memref<8000xi32, #tpu.memory_space<vmem>>, vector<16xi32>,
        %and3A = arith.constant 16383 : i32
        %and3A_393 = vector.broadcast %and3A : i32 to vector<16xi32>
        %and3A_394 = arith.andi %get3A_392, %and3A_393 : vector<16xi32>
        %shift_right_logical3A = arith.constant 14 : i32
        %shift_right_logical3A_395 = vector.broadcast %shift_right_logical3A : i32 to vector<16xi32>
        %shift_right_logical3A_396 = arith.shrui %get3A_392, %shift_right_logical3A_395 : vector<16xi32>
        %and3A_397 = arith.constant 16383 : i32
        %and3A_398 = vector.broadcast %and3A_397 : i32 to vector<16xi32>
        %and3A_399 = arith.andi %shift_right_logical3A_396, %and3A_398 : vector<16xi32>
        %shift_right_logical3A_400 = arith.constant 28 : i32
        %shift_right_logical3A_401 = vector.broadcast %shift_right_logical3A_400 : i32 to vector<16xi32>
        %shift_right_logical3A_402 = arith.shrui %get3A_392, %shift_right_logical3A_401 : vector<16xi32>
        %shift_left3A = arith.constant 2 : i32
        %shift_left3A_403 = vector.broadcast %shift_left3A : i32 to vector<16xi32>
        %shift_left3A_404 = arith.shli %shift_right_logical3A_402, %shift_left3A_403 : vector<16xi32>
        %add3A_405 = arith.addi %mul3A_1, %shift_left3A_404 : vector<16xi32>
        %broadcast_in_dim3A_406 = arith.constant 0.000000e+00 : f32
        %broadcast_in_dim3A_407 = vector.broadcast %broadcast_in_dim3A_406 : f32 to vector<16xf32>
        %add3A_408 = arith.constant 0 : i32
        %add3A_409 = vector.broadcast %add3A_408 : i32 to vector<16xi32>
        %add3A_410 = arith.addi %and3A_394, %add3A_409 : vector<16xi32>
        %gather3A_411 = tpu.vector_load_idx %arg7[%add3A_410] : memref<40000xi32, #tpu.memory_space<vmem>>[vector<16xi32>], vector<16xi32>,
        %add3A_412 = arith.constant 0 : i32
        %add3A_413 = vector.broadcast %add3A_412 : i32 to vector<16xi32>
        %add3A_414 = arith.addi %and3A_399, %add3A_413 : vector<16xi32>
        %gather3A_415 = tpu.vector_load_idx %arg8[%add3A_414] : memref<40000xi32, #tpu.memory_space<vmem>>[vector<16xi32>], vector<16xi32>,
        %bitcast3A_416 = vector.bitcast %gather3A_411 : vector<16xi32> to vector<32xbf16>
        %bitcast3A_417 = vector.bitcast %gather3A_415 : vector<16xi32> to vector<32xbf16>
        %mul3A_418 = arith.mulf %bitcast3A_416, %bitcast3A_417 : vector<32xbf16>
        %unpack3A = tpu.unpack_subelements %mul3A_418, 0 {pack_format = #tpu.pack_format<interleaved>} : vector<32xbf16> -> vector<16xf32>
        %unpack3A_419 = tpu.unpack_subelements %mul3A_418, 1 {pack_format = #tpu.pack_format<interleaved>} : vector<32xbf16> -> vector<16xf32>
        %add3A_420 = arith.constant 0 : i32
        %add3A_421 = vector.broadcast %add3A_420 : i32 to vector<16xi32>
        %add3A_422 = arith.addi %add3A_405, %add3A_421 : vector<16xi32>
        %gather3A_423 = tpu.vector_load_idx %arg10[%add3A_422] : memref<528xi32, #tpu.memory_space<vmem>>[vector<16xi32>], vector<16xi32>,
        %bitcast3A_424 = vector.bitcast %gather3A_423 : vector<16xi32> to vector<32xbf16>
        %unpack3A_425 = tpu.unpack_subelements %bitcast3A_424, 0 {pack_format = #tpu.pack_format<interleaved>} : vector<32xbf16> -> vector<16xf32>
        %unpack3A_426 = tpu.unpack_subelements %bitcast3A_424, 1 {pack_format = #tpu.pack_format<interleaved>} : vector<32xbf16> -> vector<16xf32>
        %mul3A_427 = arith.mulf %unpack3A, %unpack3A_425 : vector<16xf32>
        %add3A_428 = arith.addf %broadcast_in_dim3A_407, %mul3A_427 : vector<16xf32>
        %mul3A_429 = arith.mulf %unpack3A_419, %unpack3A_426 : vector<16xf32>
        %add3A_430 = arith.addf %add3A_428, %mul3A_429 : vector<16xf32>
        %add3A_431 = arith.constant 10000 : i32
        %add3A_432 = vector.broadcast %add3A_431 : i32 to vector<16xi32>
        %add3A_433 = arith.addi %and3A_394, %add3A_432 : vector<16xi32>
        %gather3A_434 = tpu.vector_load_idx %arg7[%add3A_433] : memref<40000xi32, #tpu.memory_space<vmem>>[vector<16xi32>], vector<16xi32>,
        %add3A_435 = arith.constant 10000 : i32
        %add3A_436 = vector.broadcast %add3A_435 : i32 to vector<16xi32>
        %add3A_437 = arith.addi %and3A_399, %add3A_436 : vector<16xi32>
        %gather3A_438 = tpu.vector_load_idx %arg8[%add3A_437] : memref<40000xi32, #tpu.memory_space<vmem>>[vector<16xi32>], vector<16xi32>,
        %bitcast3A_439 = vector.bitcast %gather3A_434 : vector<16xi32> to vector<32xbf16>
        %bitcast3A_440 = vector.bitcast %gather3A_438 : vector<16xi32> to vector<32xbf16>
        %mul3A_441 = arith.mulf %bitcast3A_439, %bitcast3A_440 : vector<32xbf16>
        %unpack3A_442 = tpu.unpack_subelements %mul3A_441, 0 {pack_format = #tpu.pack_format<interleaved>} : vector<32xbf16> -> vector<16xf32>
        %unpack3A_443 = tpu.unpack_subelements %mul3A_441, 1 {pack_format = #tpu.pack_format<interleaved>} : vector<32xbf16> -> vector<16xf32>
        %add3A_444 = arith.constant 1 : i32
        %add3A_445 = vector.broadcast %add3A_444 : i32 to vector<16xi32>
        %add3A_446 = arith.addi %add3A_405, %add3A_445 : vector<16xi32>
        %gather3A_447 = tpu.vector_load_idx %arg10[%add3A_446] : memref<528xi32, #tpu.memory_space<vmem>>[vector<16xi32>], vector<16xi32>,
        %bitcast3A_448 = vector.bitcast %gather3A_447 : vector<16xi32> to vector<32xbf16>
        %unpack3A_449 = tpu.unpack_subelements %bitcast3A_448, 0 {pack_format = #tpu.pack_format<interleaved>} : vector<32xbf16> -> vector<16xf32>
        %unpack3A_450 = tpu.unpack_subelements %bitcast3A_448, 1 {pack_format = #tpu.pack_format<interleaved>} : vector<32xbf16> -> vector<16xf32>
        %mul3A_451 = arith.mulf %unpack3A_442, %unpack3A_449 : vector<16xf32>
        %add3A_452 = arith.addf %add3A_430, %mul3A_451 : vector<16xf32>
        %mul3A_453 = arith.mulf %unpack3A_443, %unpack3A_450 : vector<16xf32>
        %add3A_454 = arith.addf %add3A_452, %mul3A_453 : vector<16xf32>
        %add3A_455 = arith.constant 20000 : i32
        %add3A_456 = vector.broadcast %add3A_455 : i32 to vector<16xi32>
        %add3A_457 = arith.addi %and3A_394, %add3A_456 : vector<16xi32>
        %gather3A_458 = tpu.vector_load_idx %arg7[%add3A_457] : memref<40000xi32, #tpu.memory_space<vmem>>[vector<16xi32>], vector<16xi32>,
        %add3A_459 = arith.constant 20000 : i32
        %add3A_460 = vector.broadcast %add3A_459 : i32 to vector<16xi32>
        %add3A_461 = arith.addi %and3A_399, %add3A_460 : vector<16xi32>
        %gather3A_462 = tpu.vector_load_idx %arg8[%add3A_461] : memref<40000xi32, #tpu.memory_space<vmem>>[vector<16xi32>], vector<16xi32>,
        %bitcast3A_463 = vector.bitcast %gather3A_458 : vector<16xi32> to vector<32xbf16>
        %bitcast3A_464 = vector.bitcast %gather3A_462 : vector<16xi32> to vector<32xbf16>
        %mul3A_465 = arith.mulf %bitcast3A_463, %bitcast3A_464 : vector<32xbf16>
        %unpack3A_466 = tpu.unpack_subelements %mul3A_465, 0 {pack_format = #tpu.pack_format<interleaved>} : vector<32xbf16> -> vector<16xf32>
        %unpack3A_467 = tpu.unpack_subelements %mul3A_465, 1 {pack_format = #tpu.pack_format<interleaved>} : vector<32xbf16> -> vector<16xf32>
        %add3A_468 = arith.constant 2 : i32
        %add3A_469 = vector.broadcast %add3A_468 : i32 to vector<16xi32>
        %add3A_470 = arith.addi %add3A_405, %add3A_469 : vector<16xi32>
        %gather3A_471 = tpu.vector_load_idx %arg10[%add3A_470] : memref<528xi32, #tpu.memory_space<vmem>>[vector<16xi32>], vector<16xi32>,
        %bitcast3A_472 = vector.bitcast %gather3A_471 : vector<16xi32> to vector<32xbf16>
        %unpack3A_473 = tpu.unpack_subelements %bitcast3A_472, 0 {pack_format = #tpu.pack_format<interleaved>} : vector<32xbf16> -> vector<16xf32>
        %unpack3A_474 = tpu.unpack_subelements %bitcast3A_472, 1 {pack_format = #tpu.pack_format<interleaved>} : vector<32xbf16> -> vector<16xf32>
        %mul3A_475 = arith.mulf %unpack3A_466, %unpack3A_473 : vector<16xf32>
        %add3A_476 = arith.addf %add3A_454, %mul3A_475 : vector<16xf32>
        %mul3A_477 = arith.mulf %unpack3A_467, %unpack3A_474 : vector<16xf32>
        %add3A_478 = arith.addf %add3A_476, %mul3A_477 : vector<16xf32>
        %add3A_479 = arith.constant 30000 : i32
        %add3A_480 = vector.broadcast %add3A_479 : i32 to vector<16xi32>
        %add3A_481 = arith.addi %and3A_394, %add3A_480 : vector<16xi32>
        %gather3A_482 = tpu.vector_load_idx %arg7[%add3A_481] : memref<40000xi32, #tpu.memory_space<vmem>>[vector<16xi32>], vector<16xi32>,
        %add3A_483 = arith.constant 30000 : i32
        %add3A_484 = vector.broadcast %add3A_483 : i32 to vector<16xi32>
        %add3A_485 = arith.addi %and3A_399, %add3A_484 : vector<16xi32>
        %gather3A_486 = tpu.vector_load_idx %arg8[%add3A_485] : memref<40000xi32, #tpu.memory_space<vmem>>[vector<16xi32>], vector<16xi32>,
        %bitcast3A_487 = vector.bitcast %gather3A_482 : vector<16xi32> to vector<32xbf16>
        %bitcast3A_488 = vector.bitcast %gather3A_486 : vector<16xi32> to vector<32xbf16>
        %mul3A_489 = arith.mulf %bitcast3A_487, %bitcast3A_488 : vector<32xbf16>
        %unpack3A_490 = tpu.unpack_subelements %mul3A_489, 0 {pack_format = #tpu.pack_format<interleaved>} : vector<32xbf16> -> vector<16xf32>
        %unpack3A_491 = tpu.unpack_subelements %mul3A_489, 1 {pack_format = #tpu.pack_format<interleaved>} : vector<32xbf16> -> vector<16xf32>
        %add3A_492 = arith.constant 3 : i32
        %add3A_493 = vector.broadcast %add3A_492 : i32 to vector<16xi32>
        %add3A_494 = arith.addi %add3A_405, %add3A_493 : vector<16xi32>
        %gather3A_495 = tpu.vector_load_idx %arg10[%add3A_494] : memref<528xi32, #tpu.memory_space<vmem>>[vector<16xi32>], vector<16xi32>,
        %bitcast3A_496 = vector.bitcast %gather3A_495 : vector<16xi32> to vector<32xbf16>
        %unpack3A_497 = tpu.unpack_subelements %bitcast3A_496, 0 {pack_format = #tpu.pack_format<interleaved>} : vector<32xbf16> -> vector<16xf32>
        %unpack3A_498 = tpu.unpack_subelements %bitcast3A_496, 1 {pack_format = #tpu.pack_format<interleaved>} : vector<32xbf16> -> vector<16xf32>
        %mul3A_499 = arith.mulf %unpack3A_490, %unpack3A_497 : vector<16xf32>
        %add3A_500 = arith.addf %add3A_478, %mul3A_499 : vector<16xf32>
        %mul3A_501 = arith.mulf %unpack3A_491, %unpack3A_498 : vector<16xf32>
        %add3A_502 = arith.addf %add3A_500, %mul3A_501 : vector<16xf32>
        %swap3A = arith.index_cast %mul3A_391 : i32 to index
        %swap3A_503 = tpu.vector_load %arg15[%swap3A] {strides = array<i32>} : memref<8000xf32, #tpu.memory_space<vmem>>, vector<16xf32>,
        tpu.vector_store %arg15[%swap3A], %add3A_502 {strides = array<i32>} : memref<8000xf32, #tpu.memory_space<vmem>>, vector<16xf32>,
      }
      %scan3A_375 = arith.constant 500 : i32
      %add3A_376 = arith.constant 1 : i32
      %add3A_377 = arith.addi %mul3A_322, %add3A_376 : i32
      %mul3A_378 = arith.constant 320000 : i32
      %mul3A_379 = arith.muli %arg1, %mul3A_378 : i32
      %mul3A_380 = arith.constant 160000 : i32
      %mul3A_381 = arith.muli %arg0, %mul3A_380 : i32
      %add3A_382 = arith.addi %mul3A_379, %mul3A_381 : i32
      %mul3A_383 = arith.constant 8000 : i32
      %mul3A_384 = arith.muli %add3A_377, %mul3A_383 : i32
      %add3A_385 = arith.addi %add3A_382, %mul3A_384 : i32
      %multiple_of3A_386 = tpu.assume_multiple %add3A_385, 8000 : i32
      %dma_start3A_387 = tpu.memref_slice %arg6[%multiple_of3A_386] : memref<5120000xf32, #tpu.memory_space<hbm>> -> memref<8000xf32, #tpu.memory_space<hbm>>
      %dma_start3A_388 = tpu.memref_slice %arg6[%multiple_of3A_386] : memref<5120000xf32, #tpu.memory_space<hbm>> -> memref<8000xf32, #tpu.memory_space<hbm>>
      tpu.enqueue_dma source(%arg15 : memref<8000xf32, #tpu.memory_space<vmem>>) target(%dma_start3A_388 : memref<8000xf32, #tpu.memory_space<hbm>>) target_semaphore(%arg18 : memref<!tpu.dma_semaphore, #tpu.memory_space<semaphore_mem>>)
    }
    %scan3A_312 = arith.constant 10 : i32
    %dma_wait3A = arith.constant 0 : i32
    %dma_wait3A_313 = tpu.memref_slice %arg6[%dma_wait3A] : memref<5120000xf32, #tpu.memory_space<hbm>> -> memref<8000xf32, #tpu.memory_space<hbm>>
    %dma_wait3A_314 = arith.constant 0 : i32
    %dma_wait3A_315 = tpu.memref_slice %arg6[%dma_wait3A_314] : memref<5120000xf32, #tpu.memory_space<hbm>> -> memref<8000xf32, #tpu.memory_space<hbm>>
    tpu.wait_dma2 semaphore(%arg18 : memref<!tpu.dma_semaphore, #tpu.memory_space<semaphore_mem>>) src(%arg13 : memref<8000xf32, #tpu.memory_space<vmem>>) dst(%dma_wait3A_315 : memref<8000xf32, #tpu.memory_space<hbm>>)
    %dma_wait3A_316 = arith.constant 0 : i32
    %dma_wait3A_317 = tpu.memref_slice %arg6[%dma_wait3A_316] : memref<5120000xf32, #tpu.memory_space<hbm>> -> memref<8000xf32, #tpu.memory_space<hbm>>
    %dma_wait3A_318 = arith.constant 0 : i32
    %dma_wait3A_319 = tpu.memref_slice %arg6[%dma_wait3A_318] : memref<5120000xf32, #tpu.memory_space<hbm>> -> memref<8000xf32, #tpu.memory_space<hbm>>
    tpu.wait_dma2 semaphore(%arg18 : memref<!tpu.dma_semaphore, #tpu.memory_space<semaphore_mem>>) src(%arg15 : memref<8000xf32, #tpu.memory_space<vmem>>) dst(%dma_wait3A_319 : memref<8000xf32, #tpu.memory_space<hbm>>)
    return
  }
}

module attributes {stable_mosaic.version = 14 : i64} {
  func.func @_project_body(%arg0: memref<10000x128xf32, #tpu.memory_space<vmem>>, %arg1: memref<128x128xf32, #tpu.memory_space<vmem>>, %arg2: memref<1x128xf32, #tpu.memory_space<vmem>>, %arg3: memref<128x128xf32, #tpu.memory_space<vmem>>, %arg4: memref<1x128xf32, #tpu.memory_space<vmem>>, %arg5: memref<2500x128xi32, #tpu.memory_space<vmem>>, %arg6: memref<2500x128xi32, #tpu.memory_space<vmem>>, %arg7: memref<2500x128xi32, #tpu.memory_space<vmem>>, %arg8: memref<64x10000xi32, #tpu.memory_space<vmem>>, %arg9: memref<64x10000xi32, #tpu.memory_space<vmem>>, %arg10: memref<2500x128xi32, #tpu.memory_space<vmem>>) attributes {dimension_semantics = [], scalar_prefetch = 0 : i64, scratch_operands = 0 : i64, tpu.core_type = #tpu.core_type<tc>} {
    %get3A = arith.constant 0 : index
    %get3A_0 = arith.constant 0 : index
    %get3A_1 = vector.load %arg0[%get3A, %get3A_0] : memref<10000x128xf32, #tpu.memory_space<vmem>>, vector<10000x128xf32>
    %get3A_2 = arith.constant 0 : index
    %get3A_3 = arith.constant 0 : index
    %get3A_4 = vector.load %arg1[%get3A_2, %get3A_3] : memref<128x128xf32, #tpu.memory_space<vmem>>, vector<128x128xf32>
    %dot_general3A = arith.constant dense<0.000000e+00> : vector<10000x128xf32>
    %dot_general3A_5 = tpu.matmul %get3A_1, %get3A_4, %dot_general3A {dimension_numbers = #tpu.dot_dimension_numbers<[1], [0], [0], [1], [0, 0, 1, 1], [], []>, transpose_lhs_hint = false} : vector<10000x128xf32>, vector<128x128xf32>, vector<10000x128xf32> -> vector<10000x128xf32>
    %get3A_6 = arith.constant 0 : index
    %get3A_7 = arith.constant 0 : index
    %get3A_8 = vector.load %arg2[%get3A_6, %get3A_7] : memref<1x128xf32, #tpu.memory_space<vmem>>, vector<1x128xf32>
    %add3A = vector.broadcast %get3A_8 : vector<1x128xf32> to vector<10000x128xf32>
    %add3A_9 = arith.addf %dot_general3A_5, %add3A : vector<10000x128xf32>
    %get3A_10 = arith.constant 0 : index
    %get3A_11 = arith.constant 0 : index
    %get3A_12 = vector.load %arg3[%get3A_10, %get3A_11] : memref<128x128xf32, #tpu.memory_space<vmem>>, vector<128x128xf32>
    %dot_general3A_13 = arith.constant dense<0.000000e+00> : vector<10000x128xf32>
    %dot_general3A_14 = tpu.matmul %get3A_1, %get3A_12, %dot_general3A_13 {dimension_numbers = #tpu.dot_dimension_numbers<[1], [0], [0], [1], [0, 0, 1, 1], [], []>, transpose_lhs_hint = false} : vector<10000x128xf32>, vector<128x128xf32>, vector<10000x128xf32> -> vector<10000x128xf32>
    %get3A_15 = arith.constant 0 : index
    %get3A_16 = arith.constant 0 : index
    %get3A_17 = vector.load %arg4[%get3A_15, %get3A_16] : memref<1x128xf32, #tpu.memory_space<vmem>>, vector<1x128xf32>
    %add3A_18 = vector.broadcast %get3A_17 : vector<1x128xf32> to vector<10000x128xf32>
    %add3A_19 = arith.addf %dot_general3A_14, %add3A_18 : vector<10000x128xf32>
    %slice3A = vector.extract_strided_slice %add3A_9 {offsets = [0, 0], sizes = [10000, 64], strides = [1, 1]} : vector<10000x128xf32> to vector<10000x64xf32>
    %convert_element_type3A = arith.truncf %slice3A : vector<10000x64xf32> to vector<10000x64xbf16>
    %bitcast_convert_type3A = tpu.bitcast %convert_element_type3A : vector<10000x64xbf16> -> vector<10000x64xi16>
    %convert_element_type3A_20 = arith.extui %bitcast_convert_type3A : vector<10000x64xi16> to vector<10000x64xi32>
    %slice3A_21 = vector.extract_strided_slice %add3A_9 {offsets = [0, 64], sizes = [10000, 64], strides = [1, 1]} : vector<10000x128xf32> to vector<10000x64xf32>
    %convert_element_type3A_22 = arith.truncf %slice3A_21 : vector<10000x64xf32> to vector<10000x64xbf16>
    %bitcast_convert_type3A_23 = tpu.bitcast %convert_element_type3A_22 : vector<10000x64xbf16> -> vector<10000x64xi16>
    %convert_element_type3A_24 = arith.extui %bitcast_convert_type3A_23 : vector<10000x64xi16> to vector<10000x64xi32>
    %shift_left3A = arith.constant 16 : i32
    %shift_left3A_25 = vector.broadcast %shift_left3A : i32 to vector<10000x64xi32>
    %shift_left3A_26 = arith.shli %convert_element_type3A_24, %shift_left3A_25 : vector<10000x64xi32>
    %or3A = arith.ori %convert_element_type3A_20, %shift_left3A_26 : vector<10000x64xi32>
    %bitcast_convert_type3A_27 = tpu.bitcast %or3A : vector<10000x64xi32> -> vector<10000x64xi32>
    %transpose3A = tpu.transpose %bitcast_convert_type3A_27, [1, 0] : vector<10000x64xi32> -> vector<64x10000xi32>
    %swap3A = arith.constant 0 : index
    %swap3A_28 = arith.constant 0 : index
    %swap3A_29 = vector.load %arg8[%swap3A, %swap3A_28] : memref<64x10000xi32, #tpu.memory_space<vmem>>, vector<64x10000xi32>
    tpu.vector_store %arg8[%swap3A, %swap3A_28], %transpose3A {strides = array<i32>} : memref<64x10000xi32, #tpu.memory_space<vmem>>, vector<64x10000xi32>,
    %slice3A_30 = vector.extract_strided_slice %add3A_19 {offsets = [0, 0], sizes = [10000, 64], strides = [1, 1]} : vector<10000x128xf32> to vector<10000x64xf32>
    %convert_element_type3A_31 = arith.truncf %slice3A_30 : vector<10000x64xf32> to vector<10000x64xbf16>
    %bitcast_convert_type3A_32 = tpu.bitcast %convert_element_type3A_31 : vector<10000x64xbf16> -> vector<10000x64xi16>
    %convert_element_type3A_33 = arith.extui %bitcast_convert_type3A_32 : vector<10000x64xi16> to vector<10000x64xi32>
    %slice3A_34 = vector.extract_strided_slice %add3A_19 {offsets = [0, 64], sizes = [10000, 64], strides = [1, 1]} : vector<10000x128xf32> to vector<10000x64xf32>
    %convert_element_type3A_35 = arith.truncf %slice3A_34 : vector<10000x64xf32> to vector<10000x64xbf16>
    %bitcast_convert_type3A_36 = tpu.bitcast %convert_element_type3A_35 : vector<10000x64xbf16> -> vector<10000x64xi16>
    %convert_element_type3A_37 = arith.extui %bitcast_convert_type3A_36 : vector<10000x64xi16> to vector<10000x64xi32>
    %shift_left3A_38 = arith.constant 16 : i32
    %shift_left3A_39 = vector.broadcast %shift_left3A_38 : i32 to vector<10000x64xi32>
    %shift_left3A_40 = arith.shli %convert_element_type3A_37, %shift_left3A_39 : vector<10000x64xi32>
    %or3A_41 = arith.ori %convert_element_type3A_33, %shift_left3A_40 : vector<10000x64xi32>
    %bitcast_convert_type3A_42 = tpu.bitcast %or3A_41 : vector<10000x64xi32> -> vector<10000x64xi32>
    %transpose3A_43 = tpu.transpose %bitcast_convert_type3A_42, [1, 0] : vector<10000x64xi32> -> vector<64x10000xi32>
    %swap3A_44 = arith.constant 0 : index
    %swap3A_45 = arith.constant 0 : index
    %swap3A_46 = vector.load %arg9[%swap3A_44, %swap3A_45] : memref<64x10000xi32, #tpu.memory_space<vmem>>, vector<64x10000xi32>
    tpu.vector_store %arg9[%swap3A_44, %swap3A_45], %transpose3A_43 {strides = array<i32>} : memref<64x10000xi32, #tpu.memory_space<vmem>>, vector<64x10000xi32>,
    %get3A_47 = arith.constant 0 : index
    %get3A_48 = arith.constant 0 : index
    %get3A_49 = vector.load %arg5[%get3A_47, %get3A_48] : memref<2500x128xi32, #tpu.memory_space<vmem>>, vector<2500x128xi32>
    %get3A_50 = arith.constant 0 : index
    %get3A_51 = arith.constant 0 : index
    %get3A_52 = vector.load %arg6[%get3A_50, %get3A_51] : memref<2500x128xi32, #tpu.memory_space<vmem>>, vector<2500x128xi32>
    %shift_left3A_53 = arith.constant 14 : i32
    %shift_left3A_54 = vector.broadcast %shift_left3A_53 : i32 to vector<2500x128xi32>
    %shift_left3A_55 = arith.shli %get3A_52, %shift_left3A_54 : vector<2500x128xi32>
    %or3A_56 = arith.ori %get3A_49, %shift_left3A_55 : vector<2500x128xi32>
    %get3A_57 = arith.constant 0 : index
    %get3A_58 = arith.constant 0 : index
    %get3A_59 = vector.load %arg7[%get3A_57, %get3A_58] : memref<2500x128xi32, #tpu.memory_space<vmem>>, vector<2500x128xi32>
    %shift_left3A_60 = arith.constant 28 : i32
    %shift_left3A_61 = vector.broadcast %shift_left3A_60 : i32 to vector<2500x128xi32>
    %shift_left3A_62 = arith.shli %get3A_59, %shift_left3A_61 : vector<2500x128xi32>
    %or3A_63 = arith.ori %or3A_56, %shift_left3A_62 : vector<2500x128xi32>
    %swap3A_64 = arith.constant 0 : index
    %swap3A_65 = arith.constant 0 : index
    %swap3A_66 = vector.load %arg10[%swap3A_64, %swap3A_65] : memref<2500x128xi32, #tpu.memory_space<vmem>>, vector<2500x128xi32>
    tpu.vector_store %arg10[%swap3A_64, %swap3A_65], %or3A_63 {strides = array<i32>} : memref<2500x128xi32, #tpu.memory_space<vmem>>, vector<2500x128xi32>,
    return
  }
}

module attributes {stable_mosaic.version = 14 : i64} {
  func.func @_reduce_body(%arg0: i32, %arg1: memref<16x12800xf32, #tpu.memory_space<vmem>>, %arg2: memref<1x12800xf32, #tpu.memory_space<vmem>>) attributes {dimension_semantics = [#tpu.dimension_semantics<arbitrary>], iteration_bounds = array<i64: 25>, scalar_prefetch = 0 : i64, scratch_operands = 0 : i64, tpu.core_type = #tpu.core_type<tc>, window_params = [{transform_indices = @transform_0, window_bounds = array<i64: 16, 12800>}, {transform_indices = @transform_1, window_bounds = array<i64: 1, 12800>}]} {
    %get3A = arith.constant 0 : index
    %get3A_0 = arith.constant 0 : index
    %get3A_1 = vector.load %arg1[%get3A, %get3A_0] : memref<16x12800xf32, #tpu.memory_space<vmem>>, vector<16x12800xf32>
    %reduce_sum3A = arith.constant dense<0.000000e+00> : vector<12800xf32>
    %reduce_sum3A_2 = vector.multi_reduction <add>, %get3A_1, %reduce_sum3A [0] : vector<16x12800xf32> to vector<12800xf32>
    %broadcast_in_dim3A = vector.shape_cast %reduce_sum3A_2 : vector<12800xf32> to vector<1x12800xf32>
    %swap3A = arith.constant 0 : index
    %swap3A_3 = arith.constant 0 : index
    %swap3A_4 = vector.load %arg2[%swap3A, %swap3A_3] : memref<1x12800xf32, #tpu.memory_space<vmem>>, vector<1x12800xf32>
    tpu.vector_store %arg2[%swap3A, %swap3A_3], %broadcast_in_dim3A {strides = array<i32>} : memref<1x12800xf32, #tpu.memory_space<vmem>>, vector<1x12800xf32>,
    return
  }
  func.func @transform_0(%arg0: i32) -> (i32, i32) {
    %c0_i32 = arith.constant 0 : i32
    %c0_i32_0 = arith.constant 0 : i32
    return %c0_i32, %arg0 : i32, i32
  }
  func.func @transform_1(%arg0: i32) -> (i32, i32) {
    %c0_i32 = arith.constant 0 : i32
    %c0_i32_0 = arith.constant 0 : i32
    return %c0_i32, %arg0 : i32, i32
  }
}

</mosaic_0001>

<sc_bundles>
// kernel: kernel.5.cloned.1.call-start
scs
__scs_entry_jumppad:
0x0: {  	(pc) =	sbr.rel $0x88, $3  }
0x1: {  	(tag) =	ssettag $0x0;
	lr =	simm.s32 $0x1  }
0x2: {  	[smem:$0x3F98] =	sst lr;
	_ =	strace $0xD0000000  }
0x3: {  	_ = 	snop  }
0x4: {  	_ = 	snop  }
0x5: {  	_ = 	snop  }
0x6: {  	_ = 	snop  }
0x7: {  	_ = 	snop  }
__scs_overlays_trampoline_lowered:
0x8: {  	[smem:$0x3FA7] =	sst s0  }
0x9: {  	[smem:$0x3FA8] =	sst s1  }
0xa: {  	[smem:$0x3FA9] =	sst s2  }
0xb: {  	[smem:$0x3FAA] =	sst s3  }
0xc: {  	[smem:$0x3FAB] =	sst s4  }
0xd: {  	[smem:$0x3FAC] =	sst s5  }
0xe: {  	[smem:$0x3FAD] =	sst s6  }
0xf: {  	[smem:$0x3FAE] =	sst s7  }
0x10: {  	[smem:$0x3FAF] =	sst s8  }
0x11: {  	[smem:$0x3FB0] =	sst s9;
	s0 =	simm.s32 @!p0 $0x0  }
0x12: {  	s1 =	sld [smem:$0x3F96];
	s0 =	simm.s32 @p0 $0x1  }
0x13: {  	[smem:$0x3FB1] =	sst s0;
	s0 =	simm.s32 @!p1 $0x0  }
0x14: {  	s2 =	sld [smem:$0x3F95];
	s0 =	simm.s32 @p1 $0x1  }
0x15: {  	[smem:$0x3FB2] =	sst s0;
	s0 =	simm.s32 @!p2 $0x0  }
0x16: {  	s3 =	sld [smem:$0x3FDB];
	s0 =	simm.s32 @p2 $0x1  }
0x17: {  	s4 =	simm.s32 $0x1BF5;
	[smem:$0x3FB4] =	sst s0  }
0x18: {  	s0 =	sld [smem:$0x3F97];
	_ =	swait.ge [sflag:s4], $0x0  }
0x19: {  	s7 =	sld [smem:$0x3F98]  }
0x1a: {  	s8 =	sadd.s32 $0xFFFFE003, lr  }
0x1b: {  	s9 =	sadd.s32 $0xFFFFFEF7, lr;
	s5 =	simm.s32 $0xFFFFFFFF;
	p2 =	slt.u32 s8, $0xFFFFF086  }
0x1c: {  	p1 =	slt.u32 s9, $0xF7A;
	s5 =	simm.s32 @!p2 $0x0  }
0x1d: {  	s5 =	simm.s32 @p1 $0x1;
	p0 =	seq.s32 s7, s2  }
0x1e: {  	s7 =	smul.u32 @!p0 $0xF7A, s2;
	p2 =	seq.s32 @!p0 s5, $0x0  }
0x1f: {  	s9 =	smul.u32 $0xF7A, s1;
	s8 =	simm.s32 @!p0 $0x1BF5;
	p2 =	por !p2, p0  }
0x20: {  	[sflag:s8] =	ssyncset.s32 @!p0 $0xFFFFF086;
	s6 =	sadd.s32 @!p0 s3, s7;
	s7 =	simm.s32 @!p0 $0x108  }
0x21: {  	s3 =	sadd.s32 s3, s9;
	s6 =	sadd.s32 @!p0 $0x88, s6;
	s7 =	simm.s32 @p2 $0x1082  }
0x22: {  	[simem:s7], [sflag:s8] =	dma.local @!p0 [hbm:s6], $0xF7A  }
0x23: {  	s9 =	sor.u32 $0xD0000000, s2;
	s6 =	simm.s32 $0x108;
	_ =	swait.ge @!p0 [sflag:s8], $0x0  }
0x24: {  	s3 =	sadd.s32 $0x88, s3;
	s6 =	simm.s32 @!p1 $0x1082;
	[sflag:s4] =	ssyncset.s32 $0xFFFFF086  }
0x25: {  	[simem:s6], [sflag:s4] =	dma.local [hbm:s3], $0xF7A  }
0x26: {  	[smem:$0x3F98] =	sst s1;
	(tag) =	ssettag s2;
	_ =	strace s9  }
0x27: {  	s1 =	sld [smem:$0x3FA8]  }
0x28: {  	s2 =	sld [smem:$0x3FA9]  }
0x29: {  	s4 =	sld [smem:$0x3FAB]  }
0x2a: {  	p0 =	seq.s32 s5, $0x0;
	s5 =	sld [smem:$0x3FAC]  }
0x2b: {  	s6 =	sld [smem:$0x3FAD]  }
0x2c: {  	s7 =	sld [smem:$0x3FAE]  }
0x2d: {  	s3 =	simm.s32 $0x108;
	s8 =	sld [smem:$0x3FAF]  }
0x2e: {  	s3 =	simm.s32 @!p0 $0x1082;
	s9 =	sld [smem:$0x3FB0]  }
0x2f: {  	lr =	sadd.s32 s0, s3;
	s0 =	sld [smem:$0x3FA7]  }
0x30: {  	s3 =	sld [smem:$0x3FAA]  }
0x31: {  	[smem:$0x3FB3] =	sst s10  }
0x32: {  	s10 =	sld [smem:$0x3FB1];
	_ =	sdelay $0x3  }
0x33: {  	p0 =	seq.s32 s10, $0x1;
	s10 =	sld [smem:$0x3FB3];
	_ =	sdelay $0x3  }
0x34: {  	[smem:$0x3FB3] =	sst s10  }
0x35: {  	s10 =	sld [smem:$0x3FB2];
	_ =	sdelay $0x3  }
0x36: {  	p1 =	seq.s32 s10, $0x1;
	s10 =	sld [smem:$0x3FB3];
	_ =	sdelay $0x3  }
0x37: {  	[smem:$0x3FB3] =	sst s10  }
0x38: {  	s10 =	sld [smem:$0x3FB4]  }
0x39: {  	_ = 	snop;
	(pc) =	sbr.ind lr, $3  }
0x3a: {  	_ = 	snop  }
0x3b: {  	_ = 	snop  }
0x3c: {  	p2 =	seq.s32 s10, $0x1;
	s10 =	sld [smem:$0x3FB3]  }
0x3d: {  	_ =	shalt  }
0x3e: {  	_ =	shalt  }
0x3f: {  	_ =	shalt  }
0x40: {  	_ =	shalt  }
0x41: {  	_ =	shalt  }
0x42: {  	_ =	shalt  }
0x43: {  	_ =	shalt  }
0x44: {  	_ =	shalt  }
0x45: {  	_ =	shalt  }
0x46: {  	_ =	shalt  }
0x47: {  	_ =	shalt  }
0x48: {  	_ =	shalt  }
0x49: {  	_ =	shalt  }
0x4a: {  	_ =	shalt  }
0x4b: {  	_ =	shalt  }
0x4c: {  	_ =	shalt  }
0x4d: {  	_ =	shalt  }
0x4e: {  	_ =	shalt  }
0x4f: {  	_ =	shalt  }
0x50: {  	_ =	shalt  }
0x51: {  	_ =	shalt  }
0x52: {  	_ =	shalt  }
0x53: {  	_ =	shalt  }
0x54: {  	_ =	shalt  }
0x55: {  	_ =	shalt  }
0x56: {  	_ =	shalt  }
0x57: {  	_ =	shalt  }
0x58: {  	_ =	shalt  }
0x59: {  	_ =	shalt  }
0x5a: {  	_ =	shalt  }
0x5b: {  	_ =	shalt  }
0x5c: {  	_ =	shalt  }
0x5d: {  	_ =	shalt  }
0x5e: {  	_ =	shalt  }
0x5f: {  	_ =	shalt  }
0x60: {  	_ =	shalt  }
0x61: {  	_ =	shalt  }
0x62: {  	_ =	shalt  }
0x63: {  	_ =	shalt  }
0x64: {  	_ =	shalt  }
0x65: {  	_ =	shalt  }
0x66: {  	_ =	shalt  }
0x67: {  	_ =	shalt  }
0x68: {  	_ =	shalt  }
0x69: {  	_ =	shalt  }
0x6a: {  	_ =	shalt  }
0x6b: {  	_ =	shalt  }
0x6c: {  	_ =	shalt  }
0x6d: {  	_ =	shalt  }
0x6e: {  	_ =	shalt  }
0x6f: {  	_ =	shalt  }
0x70: {  	_ =	shalt  }
0x71: {  	_ =	shalt  }
0x72: {  	_ =	shalt  }
0x73: {  	_ =	shalt  }
0x74: {  	_ =	shalt  }
0x75: {  	_ =	shalt  }
0x76: {  	_ =	shalt  }
0x77: {  	_ =	shalt  }
0x78: {  	_ =	shalt  }
0x79: {  	_ =	shalt  }
0x7a: {  	_ =	shalt  }
0x7b: {  	_ =	shalt  }
0x7c: {  	_ =	shalt  }
0x7d: {  	_ =	shalt  }
0x7e: {  	_ =	shalt  }
0x7f: {  	_ =	shalt  }
0x80: {  	_ =	shalt  }
0x81: {  	_ =	shalt  }
0x82: {  	_ =	shalt  }
0x83: {  	_ =	shalt  }
0x84: {  	_ =	shalt  }
0x85: {  	_ =	shalt  }
0x86: {  	_ =	shalt  }
0x87: {  	_ =	shalt  }
.Lfunc_end0:
.L_simem_size_0:
called_computation_lowered:
.L_overlay_start_0:
0x88: {  	s2 =	sld [smem:$0x3FD9]  }
0x89: {  	s3 =	sld [smem:$0x3FFE];
	_ =	sdelay $0x1  }
0x8a: {  	s1 =	srdreg.scid  }
0x8b: {  	s0 =	sand.u32 $0x1, s1  }
0x8c: {  	s17 =	sshll.u32 s0, $0xA;
	s2 =	sadd.s32 s3, s2  }
0x8d: {  	s2 =	sadd.s32 s2, s17  }
0x8e: {  	[smem:$0x3FBF] =	sst s2  }
0x8f: {  	_ = 	snop  }
0x90: {  	s2 =	sld [smem:$0x3FC5]  }
0x91: {  	s18 =	sld [smem:$0x3FD0];
	(tm) =	ssettm $0x1  }
0x92: {  	s4 =	sld [smem:$0x3FFB];
	_ =	sdelay $0x3  }
0x93: {  	_ =	strace s4  }
0x94: {  	s4 =	sld [smem:$0x3FFC];
	_ =	sdelay $0x3  }
0x95: {  	_ =	strace s4  }
0x96: {  	s4 =	sld [smem:$0x3FFD];
	_ =	sdelay $0x3  }
0x97: {  	_ =	strace s4  }
0x98: {  	_ =	strace $0x8FFFFFFF  }
0x99: {  	s19 =	sld [smem:$0x3FDB];
	_ =	sdelay $0x1  }
0x9a: {  	s5 =	simm.s32 $_scs_section_size  }
0x9b: {  	s6 =	simm.s32 $_size__tile_overlayer_lowered;
	s7 =	simm.s32 $_tile_overlayer_lowered  }
0x9c: {  	s22 =	simm.s32 $0x1BFF;
	s21 =	sshll.u32 s7, $0x1;
	s4 =	sadd.s32 s5, s19  }
0x9d: {  	s8 =	simm.s32 $0x0;
	s20 =	sshll.u32 s6, $0x1;
	s6 =	sadd.s32 s21, s4  }
0x9e: {  	[timem:s8], [sflag:s22] =	dma.local [hbm:s6], s20  }
0x9f: {  	_ =	swait.ge [sflag:s22], s20  }
0xa0: {  	s5 =	ssub.s32 $0x0, s20;
	[sflag:s22] =	ssyncset.done $0x0  }
0xa1: {  	[sflag:s22] =	ssyncadd.s32 s5;
	_ =	sdelay $0x1  }
0xa2: {  	s23 =	simm.s32 $0x1B8B  }
0xa3: {  	_ =	swait.ge [sflag:s23], $0x1  }
0xa4: {  	[sflag:s23] =	ssyncset.done $0x0  }
0xa5: {  	s25 =	simm.s32 $0x1B8E;
	s24 =	sld [smem:$0x3FFE];
	[sflag:s23] =	ssyncadd.s32 $0xFFFFFFFF  }
0xa6: {  	s26 =	simm.s32 $execute0_lowered;
	[smem:$0x3FD2] =	sst s25  }
0xa7: {  	s6 =	sshll.u32 s26, $0x1;
	_ =	strace $0x80000046;
	[dreg:$0x1] =	wrdreg $0xFFFFFFFF  }
0xa8: {  	s28 =	simm.s32 $_size_execute0_lowered;
	s4 =	sadd.s32 s4, s6;
	[dreg:$0x0] =	wrdreg $0x0  }
0xa9: {  	s6 =	sshll.u32 s28, $0x1;
	[dreg:$0x2] =	wrdreg s4  }
0xaa: {  	[dreg:$0x3] =	wrdreg s6  }
0xab: {  	[dreg:$0x4] =	wrdreg $0xC0  }
0xac: {  	_ =	task [dreg:s8], $0x5FFFF  }
0xad: {  	[dreg:$0x1] =	wrdreg $0xFFFFFFFF  }
0xae: {  	[dreg:$0x0] =	wrdreg $0x60  }
0xaf: {  	[dreg:$0x2] =	wrdreg s24  }
0xb0: {  	[dreg:$0x3] =	wrdreg s2  }
0xb1: {  	[dreg:$0x4] =	wrdreg s18  }
0xb2: {  	[dreg:$0x5] =	wrdreg $0x13D800  }
0xb3: {  	[dreg:$0x6] =	wrdreg $0x9  }
0xb4: {  	_ =	task.clear_ibuf [dreg:s8], $0x7FFFF;
	_ =	strace $0x90000046  }
0xb5: {  	s29 =	simm.s32 $0x9;
	_ =	strace $0x80000048  }
0xb6: {  	_ =	swait.ge [sflag:s29], $0x1  }
0xb7: {  	[sflag:s29] =	ssyncadd.s32 $0xFFFFFFFF  }
0xb8: {  	_ =	strace $0x90000048  }
0xb9: {  	_ =	sfence  }
0xba: {  	s30 =	sld [smem:$0x0];
	_ =	sdelay $0x2  }
0xbb: {  	s31 =	sshll.u32 s1, $0xD;
	s1 =	sshrl.u32 s1, $0x2  }
0xbc: {  	s3 =	sand.u32 $0x4000, s31;
	s1 =	sadd.s32 s1, s30  }
0xbd: {  	s0 =	sor.u32 s3, s0;
	s1 =	sshll.u32 s1, $0x11  }
0xbe: {  	s0 =	sor.u32 s1, s0  }
0xbf: {  	s0 =	sadd.s32 $0x8F2B, s0  }
0xc0: {  	[sflag:s0] =	ssyncadd.remote.s32 $0x1  }
0xc1: {  	_ =	sfence.sel $0xFFFF  }
0xc2: {  	[dreg:$0x0] =	wrdreg $0xFFFFFFFF;
	(pc) =	sbr.abs _section_cstart, $3  }
0xc3: {  	[dreg:$0x1] =	wrdreg $0xFFFFFFFF  }
0xc4: {  	_ =	task.clear_ibuf [dreg:s8], $0x2FFFF;
	_ =	strace $0x9FFFFFFF  }
0xc5: {  	(tm) =	ssettm $0x7FFFFFFF  }
tec
execute0_lowered:
.L_overlay_start_1:
0x0: {  	(tag) =	ssettag $0x1  }
0x1: {  	s10 =	stileid.u32  }
0x2: {  	v29 =	vlaneseq.u32;
	s0 =	sshll.u32 s10, $0x2;
	s31 =	sshllo.u32 s10, $0x2  }
0x3: {  	v29 =	vmul.u32 $0x21, v29;
	v0 =	vmov s0;
	s1 =	sor.u32 $0x1, s0;
	s0 =	sor.u32 $0x2, s0;
	v6 =	vmov s31  }
0x4: {  	v1 =	vor.u32 $0x40, v0;
	v2 =	vmov s1;
	v3 =	vmov s0  }
0x5: {  	s4 =	rddreg [dreg:$0x0];
	v7 =	vor.u32 $0x40, v6;
	v8 =	vor.u32 $0x80, v0;
	v9 =	vor.u32 $0xC0, v0  }
0x6: {  	s7 =	rddreg [dreg:$0x2];
	v14 =	vor.u32 $0x80, v6;
	v15 =	vor.u32 $0xC0, v6;
	v16 =	vor.u32 $0x100, v0  }
0x7: {  	s2 =	rddreg [dreg:$0x3];
	s5 =	srdreg.scid;
	s3 =	simm.s32 $0x0;
	v17 =	vor.u32 $0x140, v0;
	v22 =	vor.u32 $0x100, v6;
	v23 =	vor.u32 $0x140, v6  }
0x8: {  	s14 =	simm.s32 $0x13B00;
	s15 =	simm.s32 $0x16490;
	s16 =	simm.s32 $0x1A390;
	v24 =	vor.u32 $0x180, v0;
	v25 =	vor.u32 $0x1C0, v0;
	v31 =	vor.u32 $0x180, v6  }
0x9: {  	s17 =	simm.s32 $0x1;
	s18 =	simm.s32 $0x18410;
	s19 =	simm.s32 $0x2;
	v32 =	vor.u32 $0x1C0, v6;
	v33 =	vadd.s32 $0x1, v29;
	v34 =	vadd.s32 $0x2, v29  }
0xa: {  	s20 =	simm.s32 $0x3;
	s21 =	simm.s32 $0x1C310;
	s22 =	simm.s32 $0x0;
	v35 =	vadd.s32 $0x3, v29;
	v36 =	vadd.s32 $0x4, v29;
	v37 =	vadd.s32 $0x5, v29  }
0xb: {  	s6 =	smul.u32 $0x1388, s10;
	s5 =	sand.u32 $0x1, s5;
	[smem:$0x7FF] =	sst s3;
	v38 =	vadd.s32 $0x6, v29;
	v39 =	vadd.s32 $0x7, v29;
	v40 =	vadd.s32 $0x8, v29  }
0xc: {  	s11 =	smul.u32 $0x4E200, s10;
	p0 =	sne.s32 s10, $0x0;
	s10 =	simm.s32 $0x4;
	v41 =	vadd.s32 $0x9, v29;
	v42 =	vadd.s32 $0xA, v29;
	v43 =	vadd.s32 $0xB, v29  }
0xd: {  	s8 =	smul.u32 $0x4E20, s5;
	s9 =	ssub.s32 $0x2, s5;
	s0 =	rddreg [dreg:$0x1];
	v44 =	vadd.s32 $0xC, v29;
	v45 =	vadd.s32 $0xD, v29;
	v46 =	vadd.s32 $0xE, v29  }
0xe: {  	s13 =	smul.u32 $0x27100, s5;
	s1 =	rddreg [dreg:$0x4];
	_ =	strace $0x80000047;
	v47 =	vadd.s32 $0xF, v29;
	v4 =	vor.u32 $0x40, v2;
	v5 =	vor.u32 $0x40, v3  }
0xf: {  	s6 =	sadd.s32 s6, s4;
	s12 =	sshrl.u32 s9, $0x1;
	s4 =	sadd.s32 $0x28800, s4;
	v10 =	vor.u32 $0x80, v2;
	v11 =	vor.u32 $0xC0, v2;
	v12 =	vor.u32 $0x80, v3  }
0x10: {  	v13 =	vor.u32 $0xC0, v3;
	v18 =	vor.u32 $0x100, v2;
	v19 =	vor.u32 $0x140, v2;
	s9 =	ssub.s32 s9, s12;
	s5 =	sadd.s32 $0x1400, s6;
	s6 =	sadd.s32 $0x14E00, s6  }
0x11: {  	v20 =	vor.u32 $0x100, v3;
	v21 =	vor.u32 $0x140, v3;
	v26 =	vor.u32 $0x180, v2;
	s7 =	sadd.s32 s7, s8;
	s8 =	sadd.s32 s13, s11;
	s11 =	simm.s32 $0x9C80  }
0x12: {  	v27 =	vor.u32 $0x1C0, v2;
	v28 =	vor.u32 $0x180, v3;
	v30 =	vor.u32 $0x1C0, v3;
	s12 =	simm.s32 $0x13900;
	s13 =	sshrl.u32 @!p0 s2, $0x3;
	s9 =	smax.u32 s9, $0x1  }
.LBB2_1:
0x13: {  	[tilespmem:s3], [sflag:$0x4] =	stream.linear.gather [hbm4b:s5+s3], $0x9C40, $0x38;
	[tilespmem:$0x1E290] =	vst v63  }
0x14: {  	_ =	swait.ge [sflag:s10], $0x9C40  }
0x15: {  	[sflag:s10] =	ssyncset.done $0x0  }
0x16: {  	[sflag:s10] =	ssyncadd.s32 $0xFFFF63C0  }
0x17: {  	[tilespmem:s11], [sflag:$0x4] =	stream.linear.gather [hbm4b:s6+s3], $0x9C40, $0x38;
	[tilespmem:$0x1E290] =	vst v63  }
0x18: {  	_ =	swait.ge [sflag:s10], $0x9C40  }
0x19: {  	[sflag:s10] =	ssyncset.done $0x0  }
0x1a: {  	[sflag:s10] =	ssyncadd.s32 $0xFFFF63C0  }
0x1b: {  	[tilespmem:s12], [sflag:$0x4] =	stream.linear.gather [hbm4b:s0+s3], $0x200, $0x38;
	[tilespmem:$0x1E290] =	vst v63  }
0x1c: {  	_ =	swait.ge [sflag:s10], $0x200  }
0x1d: {  	[sflag:s10] =	ssyncset.done $0x0  }
0x1e: {  	s23 =	simm.s32 @!p0 $0x1C04;
	[sflag:s10] =	ssyncadd.s32 $0xFFFFFE00  }
0x1f: {  	[spmem:s13], [sflag:s23] =	dma.local @!p0 [hbm:s7], $0x4E20  }
0x20: {  	s23 =	simm.s32 @!p0 $0x4  }
0x21: {  	_ =	swait.ge @!p0 [sflag:s23], $0x4E20  }
0x22: {  	[sflag:s23] =	ssyncset.done @!p0 $0x0  }
0x23: {  	[sflag:s23] =	ssyncadd.s32 @!p0 $0xFFFFB1E0  }
0x24: {  	v48 =	vld.idx.msk [tilespmem:v0+s12+$0x0], $0xffff  }
0x25: {  	v49 =	vld.idx.msk [tilespmem:v1+s12+$0x0], $0xffff;
	_ =	sdelay $0x4  }
0x26: {  	v48 =	vpack.i.f32.bf16 v49, v48  }
0x27: {  	[tilespmem:v29+s14+$0x0] =	vst.idx.msk $0xffff, v48  }
0x28: {  	v48 =	vld.idx.msk [tilespmem:v2+s12+$0x0], $0xffff  }
0x29: {  	v61 =	vld.idx.msk [tilespmem:v4+s12+$0x0], $0xffff;
	_ =	sdelay $0x4  }
0x2a: {  	v48 =	vpack.i.f32.bf16 v61, v48  }
0x2b: {  	[tilespmem:v33+s14+$0x0] =	vst.idx.msk $0xffff, v48  }
0x2c: {  	v48 =	vld.idx.msk [tilespmem:v3+s12+$0x0], $0xffff  }
0x2d: {  	v62 =	vld.idx.msk [tilespmem:v5+s12+$0x0], $0xffff;
	_ =	sdelay $0x4  }
0x2e: {  	v48 =	vpack.i.f32.bf16 v62, v48  }
0x2f: {  	[tilespmem:v34+s14+$0x0] =	vst.idx.msk $0xffff, v48  }
0x30: {  	v48 =	vld.idx.msk [tilespmem:v6+s12+$0x0], $0xffff  }
0x31: {  	v63 =	vld.idx.msk [tilespmem:v7+s12+$0x0], $0xffff;
	_ =	sdelay $0x4  }
0x32: {  	v48 =	vpack.i.f32.bf16 v63, v48  }
0x33: {  	[tilespmem:v35+s14+$0x0] =	vst.idx.msk $0xffff, v48  }
0x34: {  	v48 =	vld.idx.msk [tilespmem:v8+s12+$0x0], $0xffff  }
0x35: {  	v52 =	vld.idx.msk [tilespmem:v9+s12+$0x0], $0xffff;
	_ =	sdelay $0x4  }
0x36: {  	v48 =	vpack.i.f32.bf16 v52, v48  }
0x37: {  	[tilespmem:v36+s14+$0x0] =	vst.idx.msk $0xffff, v48  }
0x38: {  	v48 =	vld.idx.msk [tilespmem:v10+s12+$0x0], $0xffff  }
0x39: {  	v53 =	vld.idx.msk [tilespmem:v11+s12+$0x0], $0xffff;
	_ =	sdelay $0x4  }
0x3a: {  	v48 =	vpack.i.f32.bf16 v53, v48  }
0x3b: {  	[tilespmem:v37+s14+$0x0] =	vst.idx.msk $0xffff, v48  }
0x3c: {  	v48 =	vld.idx.msk [tilespmem:v12+s12+$0x0], $0xffff  }
0x3d: {  	v54 =	vld.idx.msk [tilespmem:v13+s12+$0x0], $0xffff;
	_ =	sdelay $0x4  }
0x3e: {  	v48 =	vpack.i.f32.bf16 v54, v48  }
0x3f: {  	[tilespmem:v38+s14+$0x0] =	vst.idx.msk $0xffff, v48  }
0x40: {  	v48 =	vld.idx.msk [tilespmem:v14+s12+$0x0], $0xffff  }
0x41: {  	v55 =	vld.idx.msk [tilespmem:v15+s12+$0x0], $0xffff;
	_ =	sdelay $0x4  }
0x42: {  	v48 =	vpack.i.f32.bf16 v55, v48  }
0x43: {  	[tilespmem:v39+s14+$0x0] =	vst.idx.msk $0xffff, v48  }
0x44: {  	v48 =	vld.idx.msk [tilespmem:v16+s12+$0x0], $0xffff  }
0x45: {  	v56 =	vld.idx.msk [tilespmem:v17+s12+$0x0], $0xffff;
	_ =	sdelay $0x4  }
0x46: {  	v48 =	vpack.i.f32.bf16 v56, v48  }
0x47: {  	[tilespmem:v40+s14+$0x0] =	vst.idx.msk $0xffff, v48  }
0x48: {  	v48 =	vld.idx.msk [tilespmem:v18+s12+$0x0], $0xffff  }
0x49: {  	v57 =	vld.idx.msk [tilespmem:v19+s12+$0x0], $0xffff;
	_ =	sdelay $0x4  }
0x4a: {  	v48 =	vpack.i.f32.bf16 v57, v48  }
0x4b: {  	[tilespmem:v41+s14+$0x0] =	vst.idx.msk $0xffff, v48  }
0x4c: {  	v48 =	vld.idx.msk [tilespmem:v20+s12+$0x0], $0xffff  }
0x4d: {  	v58 =	vld.idx.msk [tilespmem:v21+s12+$0x0], $0xffff;
	_ =	sdelay $0x4  }
0x4e: {  	v48 =	vpack.i.f32.bf16 v58, v48  }
0x4f: {  	[tilespmem:v42+s14+$0x0] =	vst.idx.msk $0xffff, v48  }
0x50: {  	v48 =	vld.idx.msk [tilespmem:v22+s12+$0x0], $0xffff  }
0x51: {  	v59 =	vld.idx.msk [tilespmem:v23+s12+$0x0], $0xffff;
	_ =	sdelay $0x4  }
0x52: {  	v48 =	vpack.i.f32.bf16 v59, v48  }
0x53: {  	[tilespmem:v43+s14+$0x0] =	vst.idx.msk $0xffff, v48  }
0x54: {  	v48 =	vld.idx.msk [tilespmem:v24+s12+$0x0], $0xffff  }
0x55: {  	v60 =	vld.idx.msk [tilespmem:v25+s12+$0x0], $0xffff;
	_ =	sdelay $0x4  }
0x56: {  	v48 =	vpack.i.f32.bf16 v60, v48  }
0x57: {  	[tilespmem:v44+s14+$0x0] =	vst.idx.msk $0xffff, v48  }
0x58: {  	v48 =	vld.idx.msk [tilespmem:v26+s12+$0x0], $0xffff  }
0x59: {  	v61 =	vld.idx.msk [tilespmem:v27+s12+$0x0], $0xffff;
	_ =	sdelay $0x4  }
0x5a: {  	v48 =	vpack.i.f32.bf16 v61, v48  }
0x5b: {  	[tilespmem:v45+s14+$0x0] =	vst.idx.msk $0xffff, v48  }
0x5c: {  	v48 =	vld.idx.msk [tilespmem:v28+s12+$0x0], $0xffff  }
0x5d: {  	v62 =	vld.idx.msk [tilespmem:v30+s12+$0x0], $0xffff;
	_ =	sdelay $0x4  }
0x5e: {  	v48 =	vpack.i.f32.bf16 v62, v48  }
0x5f: {  	[tilespmem:v46+s14+$0x0] =	vst.idx.msk $0xffff, v48  }
0x60: {  	v48 =	vld.idx.msk [tilespmem:v31+s12+$0x0], $0xffff  }
0x61: {  	v63 =	vld.idx.msk [tilespmem:v32+s12+$0x0], $0xffff;
	_ =	sdelay $0x4  }
0x62: {  	v48 =	vpack.i.f32.bf16 v63, v48  }
0x63: {  	[tilespmem:v47+s14+$0x0] =	vst.idx.msk $0xffff, v48  }
0x64: {  	s23 =	simm.s32 $0x0;
	[bflag:$0x0] =	sbarrier.arrive $0xFFFF  }
0x65: {  	[tilespmem:s15], [sflag:$0x1] =	stream.linear.gather [spmem:s2], $0x1F40, $0x38;
	[tilespmem:$0x1E290] =	vst v63  }
.LBB2_2:
0x66: {  	s25 =	smul.u32 $0x3E80, s23;
	_ =	sdelay $0x1  }
0x67: {  	s24 =	sadd.s32 $0x1F40, s25  }
0x68: {  	s26 =	sadd.s32 s24, s2  }
0x69: {  	[tilespmem:s16], [sflag:$0x2] =	stream.linear.gather [spmem:s26], $0x1F40, $0x38;
	[tilespmem:$0x1E290] =	vst v63  }
0x6a: {  	_ =	swait.ge [sflag:s17], $0x1F40  }
0x6b: {  	p1 =	seq.s32 s23, $0x0;
	[sflag:s17] =	ssyncset.done $0x0  }
0x6c: {  	s26 =	simm.s32 @!p1 $0x3;
	[sflag:s17] =	ssyncadd.s32 $0xFFFFE0C0  }
0x6d: {  	_ =	swait.ge @!p1 [sflag:s26], $0x1F40  }
0x6e: {  	[sflag:s26] =	ssyncset.done @!p1 $0x0  }
0x6f: {  	[sflag:s26] =	ssyncadd.s32 @!p1 $0xFFFFE0C0;
	s26 =	simm.s32 $0x0  }
0x70: {  	v48 =	vld [tilespmem:s26+$0x16490];
	_ =	sdelay $0x4  }
0x71: {  	v49 =	vshrl.u32 v48, $0xE;
	v50 =	vand.u32 $0x3FFF, v48  }
0x72: {  	v48 =	vshrl.u32 v48, $0x1A;
	v49 =	vand.u32 $0x3FFF, v49  }
0x73: {  	v48 =	vand.u32 $0x3C, v48  }
0x74: {  	v51 =	vadd.s32 v29, v48  }
0x75: {  	v54 =	vadd.s32 $0x2710, v50  }
0x76: {  	v52 =	vadd.s32 $0x2710, v49;
	v55 =	vld.idx.msk [tilespmem:v50+s3+$0x0], $0xffff  }
0x77: {  	v53 =	vld.idx.msk [tilespmem:v49+s11+$0x0], $0xffff  }
0x78: {  	v56 =	vadd.s32 v33, v48  }
0x79: {  	v57 =	vadd.s32 $0x4E20, v49;
	v51 =	vld.idx.msk [tilespmem:v51+s14+$0x0], $0xffff  }
0x7a: {  	v58 =	vadd.s32 $0x4E20, v50;
	v54 =	vld.idx.msk [tilespmem:v54+s3+$0x0], $0xffff  }
0x7b: {  	v52 =	vld.idx.msk [tilespmem:v52+s11+$0x0], $0xffff  }
0x7c: {  	v59 =	vadd.s32 v34, v48;
	v53 =	vmul.bf16 v53, v55  }
0x7d: {  	v50 =	vadd.s32 $0x7530, v50;
	v55 =	vld.idx.msk [tilespmem:v56+s14+$0x0], $0xffff  }
0x7e: {  	v49 =	vadd.s32 $0x7530, v49;
	v56 =	vld.idx.msk [tilespmem:v57+s11+$0x0], $0xffff;
	v60 =	vunpack.i.l.bf16.f32 v51;
	v57 =	vunpack.i.l.bf16.f32 v53  }
0x7f: {  	v58 =	vld.idx.msk [tilespmem:v58+s3+$0x0], $0xffff;
	v51 =	vunpack.i.u.bf16.f32 v51;
	v57 =	vmul.f32 v60, v57  }
0x80: {  	v52 =	vmul.bf16 v52, v54;
	v54 =	vadd.s32 v35, v48;
	v53 =	vunpack.i.u.bf16.f32 v53  }
0x81: {  	v48 =	vld.idx.msk [tilespmem:v59+s14+$0x0], $0xffff;
	v51 =	vmul.f32 v51, v53;
	v57 =	vadd.f32 $0.0e+00, v57  }
0x82: {  	v62 =	vunpack.i.l.bf16.f32 v52;
	v60 =	vunpack.i.u.bf16.f32 v52;
	v52 =	vld.idx.msk [tilespmem:v50+s3+$0x0], $0xffff;
	v63 =	vunpack.i.l.bf16.f32 v55  }
0x83: {  	v59 =	vmul.f32 v63, v62;
	v57 =	vadd.f32 v57, v51;
	v51 =	vld.idx.msk [tilespmem:v49+s11+$0x0], $0xffff  }
0x84: {  	v55 =	vunpack.i.u.bf16.f32 v55;
	v53 =	vmul.bf16 v56, v58  }
0x85: {  	v55 =	vmul.f32 v55, v60;
	v49 =	vld.idx.msk [tilespmem:v54+s14+$0x0], $0xffff;
	v61 =	vadd.f32 v59, v57  }
0x86: {  	s28 =	simm.s32 $0x10;
	v63 =	vunpack.i.l.bf16.f32 v48;
	v62 =	vunpack.i.l.bf16.f32 v53  }
0x87: {  	s29 =	simm.s32 $0x80;
	v50 =	vld [tilespmem:s28+$0x16490];
	v54 =	vadd.f32 v61, v55;
	v55 =	vmul.f32 v63, v62  }
.LBB2_3:
0x88: {  	p2 =	sne.s32 s29, $0x7CC0;
	v53 =	vunpack.i.u.bf16.f32 v53;
	v48 =	vunpack.i.u.bf16.f32 v48;
	v51 =	vmul.bf16 v51, v52  }
0x89: {  	v52 =	vadd.f32 v55, v54;
	v48 =	vmul.f32 v48, v53  }
0x8a: {  	v54 =	vunpack.i.l.bf16.f32 v49;
	v53 =	vunpack.i.l.bf16.f32 v51  }
0x8b: {  	v48 =	vadd.f32 v52, v48;
	v52 =	vmul.f32 v54, v53  }
0x8c: {  	v49 =	vunpack.i.u.bf16.f32 v49;
	v51 =	vunpack.i.u.bf16.f32 v51;
	v53 =	vshrl.u32 v50, $0xE  }
0x8d: {  	v49 =	vmul.f32 v49, v51;
	v53 =	vand.u32 $0x3FFF, v53;
	v48 =	vadd.f32 v52, v48  }
0x8e: {  	v51 =	vand.u32 $0x3FFF, v50;
	v50 =	vshrl.u32 v50, $0x1A  }
0x8f: {  	v50 =	vand.u32 $0x3C, v50;
	v48 =	vadd.f32 v48, v49  }
0x90: {  	v49 =	vadd.s32 v29, v50  }
0x91: {  	v52 =	vadd.s32 $0x2710, v53;
	[tilespmem:s26+$0x18410] =	vst v48;
	s26 =	smov.u32 s28  }
0x92: {  	v54 =	vadd.s32 $0x2710, v51;
	v48 =	vld.idx.msk [tilespmem:v53+s11+$0x0], $0xffff  }
0x93: {  	v55 =	vld.idx.msk [tilespmem:v51+s3+$0x0], $0xffff  }
0x94: {  	v56 =	vadd.s32 v33, v50  }
0x95: {  	v57 =	vadd.s32 $0x4E20, v53;
	v49 =	vld.idx.msk [tilespmem:v49+s14+$0x0], $0xffff  }
0x96: {  	v58 =	vadd.s32 $0x4E20, v51;
	v52 =	vld.idx.msk [tilespmem:v52+s11+$0x0], $0xffff  }
0x97: {  	v54 =	vld.idx.msk [tilespmem:v54+s3+$0x0], $0xffff  }
0x98: {  	v59 =	vadd.s32 v34, v50  }
0x99: {  	v53 =	vadd.s32 $0x7530, v53;
	v48 =	vmul.bf16 v48, v55;
	v55 =	vld.idx.msk [tilespmem:v56+s14+$0x0], $0xffff  }
0x9a: {  	v56 =	vld.idx.msk [tilespmem:v57+s11+$0x0], $0xffff;
	v57 =	vadd.s32 $0x7530, v51  }
0x9b: {  	v51 =	vunpack.i.l.bf16.f32 v48;
	v60 =	vunpack.i.l.bf16.f32 v49;
	v58 =	vld.idx.msk [tilespmem:v58+s3+$0x0], $0xffff  }
0x9c: {  	v50 =	vadd.s32 v35, v50;
	v51 =	vmul.f32 v60, v51  }
0x9d: {  	v49 =	vunpack.i.u.bf16.f32 v49;
	v60 =	vunpack.i.u.bf16.f32 v48;
	v54 =	vmul.bf16 v52, v54;
	v48 =	vld.idx.msk [tilespmem:v59+s14+$0x0], $0xffff  }
0x9e: {  	v49 =	vmul.f32 v49, v60;
	v59 =	vadd.f32 $0.0e+00, v51;
	v51 =	vld.idx.msk [tilespmem:v53+s11+$0x0], $0xffff  }
0x9f: {  	v53 =	vunpack.i.l.bf16.f32 v54;
	v60 =	vunpack.i.l.bf16.f32 v55;
	v52 =	vld.idx.msk [tilespmem:v57+s3+$0x0], $0xffff  }
.Ltmp0:
0xa0: {  	v57 =	vadd.f32 v59, v49;
	v59 =	vmul.f32 v60, v53;
	(pc) =	sbr.rel @p2 .LBB2_3-.Ltmp0, $4  }
0xa1: {  	v54 =	vunpack.i.u.bf16.f32 v54;
	v55 =	vunpack.i.u.bf16.f32 v55;
	v53 =	vmul.bf16 v56, v58;
	v49 =	vld.idx.msk [tilespmem:v50+s14+$0x0], $0xffff  }
0xa2: {  	v54 =	vmul.f32 v55, v54;
	v56 =	vadd.f32 v59, v57  }
0xa3: {  	s28 =	sshra.s32 s29, $0x2;
	v55 =	vunpack.i.l.bf16.f32 v53;
	v57 =	vunpack.i.l.bf16.f32 v48  }
0xa4: {  	s29 =	sadd.s32 $0x40, s29;
	v54 =	vadd.f32 v56, v54;
	v55 =	vmul.f32 v57, v55;
	v50 =	vld [tilespmem:s28+$0x16490]  }
0xa5: {  	v53 =	vunpack.i.u.bf16.f32 v53;
	v48 =	vunpack.i.u.bf16.f32 v48;
	v51 =	vmul.bf16 v51, v52  }
0xa6: {  	v61 =	vadd.f32 v55, v54;
	v48 =	vmul.f32 v48, v53  }
0xa7: {  	v63 =	vunpack.i.l.bf16.f32 v49;
	v62 =	vunpack.i.l.bf16.f32 v51  }
0xa8: {  	v48 =	vadd.f32 v61, v48;
	v56 =	vmul.f32 v63, v62  }
0xa9: {  	v58 =	vunpack.i.u.bf16.f32 v49;
	v51 =	vunpack.i.u.bf16.f32 v51;
	v57 =	vshrl.u32 v50, $0xE  }
0xaa: {  	v49 =	vmul.f32 v58, v51;
	v53 =	vand.u32 $0x3FFF, v57;
	v48 =	vadd.f32 v56, v48  }
0xab: {  	v51 =	vand.u32 $0x3FFF, v50;
	v59 =	vshrl.u32 v50, $0x1A  }
0xac: {  	v50 =	vand.u32 $0x3C, v59;
	v48 =	vadd.f32 v48, v49  }
0xad: {  	v60 =	vadd.s32 v29, v50  }
0xae: {  	v62 =	vadd.s32 $0x2710, v51;
	[tilespmem:s26+$0x18410] =	vst v48  }
0xaf: {  	v61 =	vadd.s32 $0x2710, v53;
	v48 =	vld.idx.msk [tilespmem:v53+s11+$0x0], $0xffff  }
0xb0: {  	v63 =	vld.idx.msk [tilespmem:v51+s3+$0x0], $0xffff  }
0xb1: {  	v56 =	vadd.s32 v33, v50  }
0xb2: {  	v57 =	vadd.s32 $0x4E20, v53;
	v49 =	vld.idx.msk [tilespmem:v60+s14+$0x0], $0xffff  }
0xb3: {  	v58 =	vadd.s32 $0x4E20, v51;
	v54 =	vld.idx.msk [tilespmem:v62+s3+$0x0], $0xffff  }
0xb4: {  	v52 =	vld.idx.msk [tilespmem:v61+s11+$0x0], $0xffff  }
0xb5: {  	v59 =	vadd.s32 v34, v50;
	v48 =	vmul.bf16 v48, v63  }
0xb6: {  	v51 =	vadd.s32 $0x7530, v51;
	v55 =	vld.idx.msk [tilespmem:v56+s14+$0x0], $0xffff  }
0xb7: {  	v53 =	vadd.s32 $0x7530, v53;
	v56 =	vld.idx.msk [tilespmem:v57+s11+$0x0], $0xffff;
	v60 =	vunpack.i.l.bf16.f32 v49;
	v57 =	vunpack.i.l.bf16.f32 v48  }
0xb8: {  	v50 =	vadd.s32 v35, v50;
	v58 =	vld.idx.msk [tilespmem:v58+s3+$0x0], $0xffff;
	v57 =	vmul.f32 v60, v57  }
0xb9: {  	v49 =	vunpack.i.u.bf16.f32 v49;
	v52 =	vmul.bf16 v52, v54;
	v48 =	vunpack.i.u.bf16.f32 v48  }
0xba: {  	v54 =	vld.idx.msk [tilespmem:v59+s14+$0x0], $0xffff;
	v48 =	vmul.f32 v49, v48;
	v57 =	vadd.f32 $0.0e+00, v57  }
0xbb: {  	v51 =	vld.idx.msk [tilespmem:v51+s3+$0x0], $0xffff;
	v62 =	vunpack.i.l.bf16.f32 v55;
	v61 =	vunpack.i.l.bf16.f32 v52  }
0xbc: {  	v60 =	vld.idx.msk [tilespmem:v53+s11+$0x0], $0xffff;
	v53 =	vmul.f32 v62, v61;
	v48 =	vadd.f32 v57, v48  }
0xbd: {  	v55 =	vunpack.i.u.bf16.f32 v55;
	v56 =	vmul.bf16 v56, v58;
	v52 =	vunpack.i.u.bf16.f32 v52  }
0xbe: {  	v50 =	vld.idx.msk [tilespmem:v50+s14+$0x0], $0xffff;
	v52 =	vmul.f32 v55, v52;
	v48 =	vadd.f32 v53, v48  }
0xbf: {  	v63 =	vunpack.i.l.bf16.f32 v56;
	v57 =	vunpack.i.l.bf16.f32 v54  }
0xc0: {  	v58 =	vmul.f32 v57, v63;
	v48 =	vadd.f32 v48, v52  }
0xc1: {  	v59 =	vunpack.i.u.bf16.f32 v56;
	v54 =	vunpack.i.u.bf16.f32 v54;
	v49 =	vmul.bf16 v60, v51  }
0xc2: {  	v60 =	vmul.f32 v54, v59;
	v48 =	vadd.f32 v58, v48  }
0xc3: {  	v62 =	vunpack.i.l.bf16.f32 v50;
	v61 =	vunpack.i.l.bf16.f32 v49  }
0xc4: {  	v63 =	vmul.f32 v62, v61;
	v48 =	vadd.f32 v48, v60  }
0xc5: {  	v50 =	vunpack.i.u.bf16.f32 v50;
	v49 =	vunpack.i.u.bf16.f32 v49  }
0xc6: {  	p2 =	sne.s32 s23, $0x9;
	v49 =	vmul.f32 v50, v49;
	v48 =	vadd.f32 v63, v48  }
.Ltmp1:
0xc7: {  	_ = 	snop;
	(pc) =	sbr.rel @p2 .LBB2_6-.Ltmp1, $4  }
0xc8: {  	s31 =	sadd.s32 s8, s25;
	v48 =	vadd.f32 v48, v49  }
0xc9: {  	s26 =	sshrl.u32 s31, $0x3  }
0xca: {  	s26 =	sadd.s32 s4, s26;
	[tilespmem:s28+$0x18410] =	vst v48  }
0xcb: {  	[hbm4b:s26+s3] =	stream.linear.scatter [tilespmem:s18], [sflag:$0x3], $0x1F40, $0x38;
	[tilespmem:$0x1E290] =	vst v63  }
.Ltmp2:
0xcc: {  	(pc) =	sbr.rel .LBB2_7-.Ltmp2, $4  }
0xcd: {  	_ = 	snop  }
0xce: {  	_ =	swait.ge [sflag:s19], $0x1F40  }
0xcf: {  	[sflag:s19] =	ssyncset.done $0x0  }
0xd0: {  	[sflag:s19] =	ssyncadd.s32 $0xFFFFE0C0  }
.LBB2_6:
0xd1: {  	s25 =	sadd.s32 s25, s2  }
.Ltmp3:
0xd2: {  	s25 =	sadd.s32 $0x3E80, s25;
	(pc) =	sbr.rel @p1 .LBB2_8-.Ltmp3, $4  }
0xd3: {  	[tilespmem:s15], [sflag:$0x1] =	stream.linear.gather [spmem:s25], $0x1F40, $0x38;
	[tilespmem:$0x1E290] =	vst v63  }
0xd4: {  	_ =	swait.ge [sflag:s19], $0x1F40  }
0xd5: {  	[sflag:s19] =	ssyncset.done $0x0  }
0xd6: {  	[sflag:s19] =	ssyncadd.s32 $0xFFFFE0C0  }
.LBB2_7:
0xd7: {  	_ =	swait.ge [sflag:s20], $0x1F40  }
0xd8: {  	[sflag:s20] =	ssyncset.done $0x0  }
0xd9: {  	[sflag:s20] =	ssyncadd.s32 $0xFFFFE0C0  }
.LBB2_8:
0xda: {  	s25 =	simm.s32 $0x0  }
0xdb: {  	v48 =	vld [tilespmem:s25+$0x1A390];
	_ =	sdelay $0x4  }
0xdc: {  	v49 =	vshrl.u32 v48, $0xE;
	v50 =	vand.u32 $0x3FFF, v48  }
0xdd: {  	v48 =	vshrl.u32 v48, $0x1A;
	v49 =	vand.u32 $0x3FFF, v49  }
0xde: {  	v48 =	vand.u32 $0x3C, v48  }
0xdf: {  	v51 =	vadd.s32 v29, v48  }
0xe0: {  	v54 =	vadd.s32 $0x2710, v50  }
0xe1: {  	v52 =	vadd.s32 $0x2710, v49;
	v55 =	vld.idx.msk [tilespmem:v50+s3+$0x0], $0xffff  }
0xe2: {  	v53 =	vld.idx.msk [tilespmem:v49+s11+$0x0], $0xffff  }
0xe3: {  	v56 =	vadd.s32 v33, v48  }
0xe4: {  	v57 =	vadd.s32 $0x4E20, v49;
	v51 =	vld.idx.msk [tilespmem:v51+s14+$0x0], $0xffff  }
0xe5: {  	v58 =	vadd.s32 $0x4E20, v50;
	v54 =	vld.idx.msk [tilespmem:v54+s3+$0x0], $0xffff  }
0xe6: {  	v52 =	vld.idx.msk [tilespmem:v52+s11+$0x0], $0xffff  }
0xe7: {  	v59 =	vadd.s32 v34, v48;
	v53 =	vmul.bf16 v53, v55  }
0xe8: {  	v50 =	vadd.s32 $0x7530, v50;
	v55 =	vld.idx.msk [tilespmem:v56+s14+$0x0], $0xffff  }
0xe9: {  	v49 =	vadd.s32 $0x7530, v49;
	v56 =	vld.idx.msk [tilespmem:v57+s11+$0x0], $0xffff;
	v60 =	vunpack.i.l.bf16.f32 v51;
	v57 =	vunpack.i.l.bf16.f32 v53  }
0xea: {  	v58 =	vld.idx.msk [tilespmem:v58+s3+$0x0], $0xffff;
	v51 =	vunpack.i.u.bf16.f32 v51;
	v57 =	vmul.f32 v60, v57  }
0xeb: {  	v52 =	vmul.bf16 v52, v54;
	v54 =	vadd.s32 v35, v48;
	v53 =	vunpack.i.u.bf16.f32 v53  }
0xec: {  	v48 =	vld.idx.msk [tilespmem:v59+s14+$0x0], $0xffff;
	v51 =	vmul.f32 v51, v53;
	v57 =	vadd.f32 $0.0e+00, v57  }
0xed: {  	v62 =	vunpack.i.l.bf16.f32 v52;
	v60 =	vunpack.i.u.bf16.f32 v52;
	v52 =	vld.idx.msk [tilespmem:v50+s3+$0x0], $0xffff;
	v63 =	vunpack.i.l.bf16.f32 v55  }
0xee: {  	v59 =	vmul.f32 v63, v62;
	v57 =	vadd.f32 v57, v51;
	v51 =	vld.idx.msk [tilespmem:v49+s11+$0x0], $0xffff  }
0xef: {  	v55 =	vunpack.i.u.bf16.f32 v55;
	v53 =	vmul.bf16 v56, v58  }
0xf0: {  	v55 =	vmul.f32 v55, v60;
	v49 =	vld.idx.msk [tilespmem:v54+s14+$0x0], $0xffff;
	v61 =	vadd.f32 v59, v57  }
0xf1: {  	s26 =	simm.s32 $0x10;
	v63 =	vunpack.i.l.bf16.f32 v48;
	v62 =	vunpack.i.l.bf16.f32 v53  }
0xf2: {  	s28 =	simm.s32 $0x80;
	v50 =	vld [tilespmem:s26+$0x1A390];
	v54 =	vadd.f32 v61, v55;
	v55 =	vmul.f32 v63, v62  }
.LBB2_9:
0xf3: {  	p1 =	sne.s32 s28, $0x7CC0;
	v53 =	vunpack.i.u.bf16.f32 v53;
	v48 =	vunpack.i.u.bf16.f32 v48;
	v51 =	vmul.bf16 v51, v52  }
0xf4: {  	v52 =	vadd.f32 v55, v54;
	v48 =	vmul.f32 v48, v53  }
0xf5: {  	v54 =	vunpack.i.l.bf16.f32 v49;
	v53 =	vunpack.i.l.bf16.f32 v51  }
0xf6: {  	v48 =	vadd.f32 v52, v48;
	v52 =	vmul.f32 v54, v53  }
0xf7: {  	v49 =	vunpack.i.u.bf16.f32 v49;
	v51 =	vunpack.i.u.bf16.f32 v51;
	v53 =	vshrl.u32 v50, $0xE  }
0xf8: {  	v49 =	vmul.f32 v49, v51;
	v53 =	vand.u32 $0x3FFF, v53;
	v48 =	vadd.f32 v52, v48  }
0xf9: {  	v51 =	vand.u32 $0x3FFF, v50;
	v50 =	vshrl.u32 v50, $0x1A  }
0xfa: {  	v50 =	vand.u32 $0x3C, v50;
	v48 =	vadd.f32 v48, v49  }
0xfb: {  	v49 =	vadd.s32 v29, v50  }
0xfc: {  	v52 =	vadd.s32 $0x2710, v53;
	[tilespmem:s25+$0x1C310] =	vst v48;
	s25 =	smov.u32 s26  }
0xfd: {  	v54 =	vadd.s32 $0x2710, v51;
	v48 =	vld.idx.msk [tilespmem:v53+s11+$0x0], $0xffff  }
0xfe: {  	v55 =	vld.idx.msk [tilespmem:v51+s3+$0x0], $0xffff  }
0xff: {  	v56 =	vadd.s32 v33, v50  }
0x100: {  	v57 =	vadd.s32 $0x4E20, v53;
	v49 =	vld.idx.msk [tilespmem:v49+s14+$0x0], $0xffff  }
0x101: {  	v58 =	vadd.s32 $0x4E20, v51;
	v52 =	vld.idx.msk [tilespmem:v52+s11+$0x0], $0xffff  }
0x102: {  	v54 =	vld.idx.msk [tilespmem:v54+s3+$0x0], $0xffff  }
0x103: {  	v59 =	vadd.s32 v34, v50  }
0x104: {  	v53 =	vadd.s32 $0x7530, v53;
	v48 =	vmul.bf16 v48, v55;
	v55 =	vld.idx.msk [tilespmem:v56+s14+$0x0], $0xffff  }
0x105: {  	v56 =	vld.idx.msk [tilespmem:v57+s11+$0x0], $0xffff;
	v57 =	vadd.s32 $0x7530, v51  }
0x106: {  	v51 =	vunpack.i.l.bf16.f32 v48;
	v60 =	vunpack.i.l.bf16.f32 v49;
	v58 =	vld.idx.msk [tilespmem:v58+s3+$0x0], $0xffff  }
0x107: {  	v50 =	vadd.s32 v35, v50;
	v51 =	vmul.f32 v60, v51  }
0x108: {  	v49 =	vunpack.i.u.bf16.f32 v49;
	v60 =	vunpack.i.u.bf16.f32 v48;
	v54 =	vmul.bf16 v52, v54;
	v48 =	vld.idx.msk [tilespmem:v59+s14+$0x0], $0xffff  }
0x109: {  	v49 =	vmul.f32 v49, v60;
	v59 =	vadd.f32 $0.0e+00, v51;
	v51 =	vld.idx.msk [tilespmem:v53+s11+$0x0], $0xffff  }
0x10a: {  	v53 =	vunpack.i.l.bf16.f32 v54;
	v60 =	vunpack.i.l.bf16.f32 v55;
	v52 =	vld.idx.msk [tilespmem:v57+s3+$0x0], $0xffff  }
.Ltmp4:
0x10b: {  	v57 =	vadd.f32 v59, v49;
	v59 =	vmul.f32 v60, v53;
	(pc) =	sbr.rel @p1 .LBB2_9-.Ltmp4, $4  }
0x10c: {  	v54 =	vunpack.i.u.bf16.f32 v54;
	v55 =	vunpack.i.u.bf16.f32 v55;
	v53 =	vmul.bf16 v56, v58;
	v49 =	vld.idx.msk [tilespmem:v50+s14+$0x0], $0xffff  }
0x10d: {  	v54 =	vmul.f32 v55, v54;
	v56 =	vadd.f32 v59, v57  }
0x10e: {  	s26 =	sshra.s32 s28, $0x2;
	v55 =	vunpack.i.l.bf16.f32 v53;
	v57 =	vunpack.i.l.bf16.f32 v48  }
0x10f: {  	s28 =	sadd.s32 $0x40, s28;
	v54 =	vadd.f32 v56, v54;
	v55 =	vmul.f32 v57, v55;
	v50 =	vld [tilespmem:s26+$0x1A390]  }
0x110: {  	v53 =	vunpack.i.u.bf16.f32 v53;
	v48 =	vunpack.i.u.bf16.f32 v48;
	v51 =	vmul.bf16 v51, v52  }
0x111: {  	v61 =	vadd.f32 v55, v54;
	v48 =	vmul.f32 v48, v53  }
0x112: {  	v63 =	vunpack.i.l.bf16.f32 v49;
	v62 =	vunpack.i.l.bf16.f32 v51  }
0x113: {  	v48 =	vadd.f32 v61, v48;
	v56 =	vmul.f32 v63, v62  }
0x114: {  	v58 =	vunpack.i.u.bf16.f32 v49;
	v51 =	vunpack.i.u.bf16.f32 v51;
	v57 =	vshrl.u32 v50, $0xE  }
0x115: {  	v49 =	vmul.f32 v58, v51;
	v53 =	vand.u32 $0x3FFF, v57;
	v48 =	vadd.f32 v56, v48  }
0x116: {  	v51 =	vand.u32 $0x3FFF, v50;
	v59 =	vshrl.u32 v50, $0x1A  }
0x117: {  	v50 =	vand.u32 $0x3C, v59;
	v48 =	vadd.f32 v48, v49  }
0x118: {  	v60 =	vadd.s32 v29, v50  }
0x119: {  	v62 =	vadd.s32 $0x2710, v51;
	[tilespmem:s25+$0x1C310] =	vst v48  }
0x11a: {  	v61 =	vadd.s32 $0x2710, v53;
	v48 =	vld.idx.msk [tilespmem:v53+s11+$0x0], $0xffff  }
0x11b: {  	v63 =	vld.idx.msk [tilespmem:v51+s3+$0x0], $0xffff  }
0x11c: {  	v56 =	vadd.s32 v33, v50  }
0x11d: {  	v57 =	vadd.s32 $0x4E20, v53;
	v49 =	vld.idx.msk [tilespmem:v60+s14+$0x0], $0xffff  }
0x11e: {  	v58 =	vadd.s32 $0x4E20, v51;
	v54 =	vld.idx.msk [tilespmem:v62+s3+$0x0], $0xffff  }
0x11f: {  	v52 =	vld.idx.msk [tilespmem:v61+s11+$0x0], $0xffff  }
0x120: {  	v59 =	vadd.s32 v34, v50;
	v48 =	vmul.bf16 v48, v63  }
0x121: {  	v51 =	vadd.s32 $0x7530, v51;
	v55 =	vld.idx.msk [tilespmem:v56+s14+$0x0], $0xffff  }
0x122: {  	v53 =	vadd.s32 $0x7530, v53;
	v56 =	vld.idx.msk [tilespmem:v57+s11+$0x0], $0xffff;
	v60 =	vunpack.i.l.bf16.f32 v49;
	v57 =	vunpack.i.l.bf16.f32 v48  }
0x123: {  	v50 =	vadd.s32 v35, v50;
	v58 =	vld.idx.msk [tilespmem:v58+s3+$0x0], $0xffff;
	v57 =	vmul.f32 v60, v57  }
0x124: {  	v49 =	vunpack.i.u.bf16.f32 v49;
	v52 =	vmul.bf16 v52, v54;
	v48 =	vunpack.i.u.bf16.f32 v48  }
0x125: {  	v54 =	vld.idx.msk [tilespmem:v59+s14+$0x0], $0xffff;
	v48 =	vmul.f32 v49, v48;
	v57 =	vadd.f32 $0.0e+00, v57  }
0x126: {  	v51 =	vld.idx.msk [tilespmem:v51+s3+$0x0], $0xffff;
	v62 =	vunpack.i.l.bf16.f32 v55;
	v61 =	vunpack.i.l.bf16.f32 v52  }
0x127: {  	v60 =	vld.idx.msk [tilespmem:v53+s11+$0x0], $0xffff;
	v53 =	vmul.f32 v62, v61;
	v48 =	vadd.f32 v57, v48  }
0x128: {  	v55 =	vunpack.i.u.bf16.f32 v55;
	v56 =	vmul.bf16 v56, v58;
	v52 =	vunpack.i.u.bf16.f32 v52  }
0x129: {  	v50 =	vld.idx.msk [tilespmem:v50+s14+$0x0], $0xffff;
	v52 =	vmul.f32 v55, v52;
	v48 =	vadd.f32 v53, v48  }
0x12a: {  	v63 =	vunpack.i.l.bf16.f32 v56;
	v57 =	vunpack.i.l.bf16.f32 v54  }
0x12b: {  	v58 =	vmul.f32 v57, v63;
	v48 =	vadd.f32 v48, v52  }
0x12c: {  	v59 =	vunpack.i.u.bf16.f32 v56;
	v54 =	vunpack.i.u.bf16.f32 v54;
	v49 =	vmul.bf16 v60, v51  }
0x12d: {  	v60 =	vmul.f32 v54, v59;
	v48 =	vadd.f32 v58, v48  }
0x12e: {  	v62 =	vunpack.i.l.bf16.f32 v50;
	v61 =	vunpack.i.l.bf16.f32 v49  }
0x12f: {  	v63 =	vmul.f32 v62, v61;
	v48 =	vadd.f32 v48, v60  }
0x130: {  	s23 =	sadd.s32 $0x1, s23;
	v50 =	vunpack.i.u.bf16.f32 v50;
	v49 =	vunpack.i.u.bf16.f32 v49  }
0x131: {  	p1 =	sne.s32 s23, $0xA;
	v49 =	vmul.f32 v50, v49;
	v48 =	vadd.f32 v63, v48  }
.Ltmp5:
0x132: {  	_ = 	snop;
	(pc) =	sbr.rel @p1 .LBB2_2-.Ltmp5, $4  }
0x133: {  	s24 =	sadd.s32 s8, s24;
	v48 =	vadd.f32 v48, v49  }
0x134: {  	s24 =	sshrl.u32 s24, $0x3  }
0x135: {  	s24 =	sadd.s32 s4, s24;
	[tilespmem:s26+$0x1C310] =	vst v48  }
0x136: {  	[hbm4b:s24+s3] =	stream.linear.scatter [tilespmem:s21], [sflag:$0x3], $0x1F40, $0x38;
	[tilespmem:$0x1E290] =	vst v63  }
0x137: {  	s22 =	sadd.s32 $0x1, s22  }
0x138: {  	_ =	swait.ge [sflag:s20], $0x1F40;
	p1 =	sne.s32 s22, s9  }
.Ltmp6:
0x139: {  	[sflag:s20] =	ssyncset.done $0x0;
	(pc) =	sbr.rel @p1 .LBB2_1-.Ltmp6, $4  }
0x13a: {  	[sflag:s20] =	ssyncadd.s32 $0xFFFFE0C0  }
0x13b: {  	_ =	swait.ge [sflag:s20], $0x1F40  }
0x13c: {  	[sflag:s20] =	ssyncset.done $0x0  }
0x13d: {  	[sflag:s20] =	ssyncadd.s32 $0xFFFFE0C0  }
0x13e: {  	_ =	sfence.sel $0x180000  }
0x13f: {  	[bflag:$0x0] =	sbarrier.arrive $0xFFFF  }
0x140: {  	_ =	strace $0x90000047  }
0x141: {  	s0 =	sadd.s32 @!p0 $0x100000, s1;
	[bflag:$0x2] =	sbarrier.arrive $0xFFFF  }
0x142: {  	[sflag:s0] =	ssyncadd.tile.s32 @!p0 $0x1;
	_ =	shalt  }
.Lfunc_end2:
_tile_overlayer_lowered:
.L_overlay_start_2:
0x143: {  	(tag) =	ssettag $0x2  }
0x144: {  	s0 =	rddreg [dreg:$0x0];
	s2 =	stileid.u32  }
0x145: {  	s1 =	rddreg [dreg:$0x1];
	p0 =	sne.s32 s2, $0x0  }
0x146: {  	s3 =	rddreg [dreg:$0x2];
	[bflag:$0x3] =	sbarrier.arrive $0xFFFF;
	s2 =	simm.s32 @!p0 $0x1C04  }
0x147: {  	[timem:s3], [sflag:s2] =	dma.local @!p0 [hbm:s0], s1  }
0x148: {  	s0 =	simm.s32 @!p0 $0x4  }
0x149: {  	_ =	swait.ge @!p0 [sflag:s0], s1  }
0x14a: {  	s1 =	ssub.s32 @!p0 $0x0, s1;
	[sflag:s0] =	ssyncset.done @!p0 $0x0  }
0x14b: {  	[sflag:s0] =	ssyncadd.s32 @!p0 s1  }
0x14c: {  	[bflag:$0x3] =	sbarrier.arrive $0xFFFF  }
0x14d: {  	_ =	shalt  }

</sc_bundles>
